<compile_context>
chip_gen: v7x
topology: tpu7x:2x2x1
jax: 0.10.2.dev20260603
libtpu: 0.0.44.dev20260713+nightly
codegen_flags: <defaults>
</compile_context>

<pallas_src>
import jax
import jax.numpy as jnp
from jax import lax
from jax.experimental import pallas as pl
from jax.experimental.pallas import tpu as pltpu
from jax.experimental.pallas import tpu_sc as plsc

_S = 200
_B = 4096
_D = 64
_C = 512
_SUB = 128
_NSUB = _C // _SUB
_N = _S * _B
_NCHUNK = _N // _C
_CPS = _B // _C
_NC = 2
_NS = 16
_NW = _NC * _NS
_PER_W = _NCHUNK // _NW
_L = 16
_NQ = _D // _L


def _emb_body(x_hbm, table_hbm, pos_hbm, out_hbm, idx_v, rows_v, pos_v, gsem, osem):
    wid = lax.axis_index("s") * _NC + lax.axis_index("c")
    pltpu.sync_copy(pos_hbm.at[pl.ds(0, _S)], pos_v)

    def stage_and_fire(t, buf):
        g = wid * _PER_W + t
        pltpu.sync_copy(x_hbm.at[pl.ds(g * _NSUB, _NSUB)], idx_v.at[buf])
        for j in range(_NSUB):
            pltpu.async_copy(
                table_hbm.at[idx_v.at[buf, j]],
                rows_v.at[buf, pl.ds(j * _SUB, _SUB)],
                gsem,
            )

    def drain_gather(buf):
        for j in range(_NSUB):
            pltpu.make_async_copy(
                table_hbm.at[idx_v.at[buf, j]],
                rows_v.at[buf, pl.ds(j * _SUB, _SUB)],
                gsem,
            ).wait()

    stage_and_fire(0, 0)

    def chunk_body(t, carry):
        g = wid * _PER_W + t
        buf = t % 2

        @pl.when(t + 1 < _PER_W)
        def _():
            stage_and_fire(t + 1, (t + 1) % 2)

        drain_gather(buf)

        s_idx = g // _CPS
        pos_regs = [pos_v[s_idx, pl.ds(q * _L, _L)] for q in range(_NQ)]

        def row_body(i, c2):
            for q in range(_NQ):
                plsc.addupdate(rows_v.at[buf, i, pl.ds(q * _L, _L)], pos_regs[q])
            return c2

        lax.fori_loop(0, _C, row_body, 0, unroll=8)

        @pl.when(t >= 2)
        def _():
            pltpu.make_async_copy(
                rows_v.at[buf],
                out_hbm.at[pl.ds((g - 2) * _C, _C)],
                osem,
            ).wait()

        pltpu.async_copy(rows_v.at[buf], out_hbm.at[pl.ds(g * _C, _C)], osem)
        return carry

    lax.fori_loop(0, _PER_W, chunk_body, 0)

    for tail in (_PER_W - 2, _PER_W - 1):
        g = wid * _PER_W + tail
        pltpu.make_async_copy(
            rows_v.at[tail % 2],
            out_hbm.at[pl.ds(g * _C, _C)],
            osem,
        ).wait()


@jax.jit
def _run(x, embed_table, pos_table):
    mesh = plsc.VectorSubcoreMesh(core_axis_name="c", subcore_axis_name="s")
    x2d = x.reshape(_N // _SUB, _SUB)
    tbl = lax.optimization_barrier(embed_table.reshape(500000, 128))
    tbl = tbl.reshape(1000000, _D)
    out = pl.kernel(
        _emb_body,
        out_type=jax.ShapeDtypeStruct((_N, _D), jnp.float32),
        mesh=mesh,
        scratch_types=[
            pltpu.VMEM((2, _NSUB, _SUB), jnp.int32),
            pltpu.VMEM((2, _C, _D), jnp.float32),
            pltpu.VMEM((_S, _D), jnp.float32),
            pltpu.SemaphoreType.DMA,
            pltpu.SemaphoreType.DMA,
        ],
        compiler_params=pltpu.CompilerParams(
            use_tc_tiling_on_sc=False, needs_layout_passes=False
        ),
    )(x2d, tbl, pos_table)
    return out.reshape(_S, _B, _D)


def kernel(x, embed_table, pos_table):
    return _run(x, embed_table, pos_table)

# --- scband reference (transcript-rebuilt; emitter-appended) ---
"""Pipeline reference for scband-transformer-input-layer-39556648796178 (READ-ONLY COPY).

The authoritative reference and input builder live on the scoring server;
editing this copy changes nothing except your own understanding.
"""

import jax, jax.numpy as jnp
import numpy as np

VOCAB = 1000000
D = 64
MAXLEN = 512
S = 200
B = 4096
PAD = 0

def setup_inputs(seed: int = 0) -> dict:
    key = jax.random.key(seed)
    k1, k2, k3 = jax.random.split(key, 3)
    x = jax.random.randint(k1, (S, B), 0, VOCAB, dtype=jnp.int32)
    embed_table = jax.random.normal(k2, (VOCAB, D), dtype=jnp.float32) * 0.02
    embed_table = embed_table.at[PAD].set(0.0)  # padding_idx row initialized to zeros, like nn.Embedding(padding_idx=0)
    pos_table = jax.random.normal(k3, (MAXLEN, D), dtype=jnp.float32) * 0.02
    return {"x": x, "embed_table": embed_table, "pos_table": pos_table}

def reference(x, embed_table, pos_table):
    # h = self.embed(x)  with x of shape [seq_len, batch]
    h = jnp.take(embed_table, x, axis=0)  # [S, B, D]
    # positions = arange(len(x)).unsqueeze(-1); pos_embed(positions) -> [S, 1, D]; expand_as(h)
    seq_len = x.shape[0]
    pos = jnp.take(pos_table, jnp.arange(seq_len), axis=0)[:, None, :]  # [S, 1, D]
    h = h + pos  # broadcast over batch dim
    # dropout in original forward references an undefined self.dropout (module bug);
    # treated as identity (eval-mode / p=0) to keep the math well-defined.
    return h

if __name__ == "__main__":
    import jax
    _d = setup_inputs()
    print(jax.jit(kernel)(*tuple(_d.values())))

</pallas_src>

<mosaic_0001>
#map = affine_map<(d0, d1) -> (0, 0)>
module attributes {stable_mosaic.version = 14 : i64} {
  func.func @_emb_body(%arg0: i32, %arg1: i32, %arg2: memref<6400x128xi32, #tpu.memory_space<hbm>>, %arg3: memref<1000000x64xf32, #tpu.memory_space<hbm>>, %arg4: memref<512x64xf32, #tpu.memory_space<hbm>>, %arg5: memref<819200x64xf32, #tpu.memory_space<hbm>>, %arg6: memref<2x4x128xi32, #tpu.memory_space<vmem>>, %arg7: memref<2x512x64xf32, #tpu.memory_space<vmem>>, %arg8: memref<200x64xf32, #tpu.memory_space<vmem>>, %arg9: memref<!tpu.dma_semaphore, #tpu.memory_space<semaphore_mem>>, %arg10: memref<!tpu.dma_semaphore, #tpu.memory_space<semaphore_mem>>) attributes {dimension_semantics = [#tpu.dimension_semantics<core_parallel>, #tpu.dimension_semantics<subcore_parallel>], iteration_bounds = array<i64: 2, 16>, scalar_prefetch = 0 : i64, scratch_operands = 5 : i64, tpu.core_type = #tpu.core_type<sc_vector_subcore>, window_params = [{transform_indices = #map}, {transform_indices = #map}, {transform_indices = #map}, {transform_indices = #map}]} {
    %mul3A = arith.constant 2 : i32
    %mul3A_0 = arith.muli %arg1, %mul3A : i32
    %add3A = arith.addi %mul3A_0, %arg0 : i32
    "tpu.region"() ({
      %run_scoped3A_100 = tpu.sem_alloc : memref<!tpu.dma_semaphore, #tpu.memory_space<semaphore_mem>>
      %dma_start3A_101 = arith.constant 0 : i32
      %dma_start3A_102 = arith.constant 0 : i32
      %dma_start3A_103 = tpu.memref_slice %arg4[%dma_start3A_101, %dma_start3A_102] : memref<512x64xf32, #tpu.memory_space<hbm>> -> memref<200x64xf32, #tpu.memory_space<hbm>>
      %dma_start3A_104 = arith.constant 0 : i32
      %dma_start3A_105 = arith.constant 0 : i32
      %dma_start3A_106 = tpu.memref_slice %arg4[%dma_start3A_104, %dma_start3A_105] : memref<512x64xf32, #tpu.memory_space<hbm>> -> memref<200x64xf32, #tpu.memory_space<hbm>>
      tpu.enqueue_dma source(%dma_start3A_106 : memref<200x64xf32, #tpu.memory_space<hbm>>) target(%arg8 : memref<200x64xf32, #tpu.memory_space<vmem>>) target_semaphore(%run_scoped3A_100 : memref<!tpu.dma_semaphore, #tpu.memory_space<semaphore_mem>>)
      %dma_wait3A_107 = arith.constant 0 : i32
      %dma_wait3A_108 = arith.constant 0 : i32
      %dma_wait3A_109 = tpu.memref_slice %arg4[%dma_wait3A_107, %dma_wait3A_108] : memref<512x64xf32, #tpu.memory_space<hbm>> -> memref<200x64xf32, #tpu.memory_space<hbm>>
      %dma_wait3A_110 = arith.constant 0 : i32
      %dma_wait3A_111 = arith.constant 0 : i32
      %dma_wait3A_112 = tpu.memref_slice %arg4[%dma_wait3A_110, %dma_wait3A_111] : memref<512x64xf32, #tpu.memory_space<hbm>> -> memref<200x64xf32, #tpu.memory_space<hbm>>
      tpu.wait_dma2 semaphore(%run_scoped3A_100 : memref<!tpu.dma_semaphore, #tpu.memory_space<semaphore_mem>>) src(%dma_wait3A_112 : memref<200x64xf32, #tpu.memory_space<hbm>>) dst(%arg8 : memref<200x64xf32, #tpu.memory_space<vmem>>)
      tpu.yield
    }) : () -> ()
    %mul3A_1 = arith.constant 50 : i32
    %mul3A_2 = arith.muli %add3A, %mul3A_1 : i32
    %add3A_3 = arith.constant 0 : i32
    %add3A_4 = arith.addi %mul3A_2, %add3A_3 : i32
    %mul3A_5 = arith.constant 4 : i32
    %mul3A_6 = arith.muli %add3A_4, %mul3A_5 : i32
    %run_scoped3A = arith.constant 0 : i32
    "tpu.region"() ({
      %run_scoped3A_100 = tpu.sem_alloc : memref<!tpu.dma_semaphore, #tpu.memory_space<semaphore_mem>>
      %dma_start3A_101 = arith.constant 0 : i32
      %dma_start3A_102 = arith.constant 0 : i32
      %dma_start3A_103 = tpu.memref_slice %arg6[%run_scoped3A, %dma_start3A_101, %dma_start3A_102] : memref<2x4x128xi32, #tpu.memory_space<vmem>> -> memref<1x4x128xi32, #tpu.memory_space<vmem>>
      %dma_start3A_104 = tpu.memref_squeeze %dma_start3A_103 : memref<1x4x128xi32, #tpu.memory_space<vmem>> -> memref<4x128xi32, #tpu.memory_space<vmem>>
      %dma_start3A_105 = arith.constant 0 : i32
      %dma_start3A_106 = tpu.memref_slice %arg2[%mul3A_6, %dma_start3A_105] : memref<6400x128xi32, #tpu.memory_space<hbm>> -> memref<4x128xi32, #tpu.memory_space<hbm>>
      %dma_start3A_107 = arith.constant 0 : i32
      %dma_start3A_108 = arith.constant 0 : i32
      %dma_start3A_109 = tpu.memref_slice %arg6[%run_scoped3A, %dma_start3A_107, %dma_start3A_108] : memref<2x4x128xi32, #tpu.memory_space<vmem>> -> memref<1x4x128xi32, #tpu.memory_space<vmem>>
      %dma_start3A_110 = tpu.memref_squeeze %dma_start3A_109 : memref<1x4x128xi32, #tpu.memory_space<vmem>> -> memref<4x128xi32, #tpu.memory_space<vmem>>
      %dma_start3A_111 = arith.constant 0 : i32
      %dma_start3A_112 = tpu.memref_slice %arg2[%mul3A_6, %dma_start3A_111] : memref<6400x128xi32, #tpu.memory_space<hbm>> -> memref<4x128xi32, #tpu.memory_space<hbm>>
      tpu.enqueue_dma source(%dma_start3A_112 : memref<4x128xi32, #tpu.memory_space<hbm>>) target(%dma_start3A_110 : memref<4x128xi32, #tpu.memory_space<vmem>>) target_semaphore(%run_scoped3A_100 : memref<!tpu.dma_semaphore, #tpu.memory_space<semaphore_mem>>)
      %dma_wait3A_113 = arith.constant 0 : i32
      %dma_wait3A_114 = arith.constant 0 : i32
      %dma_wait3A_115 = tpu.memref_slice %arg6[%run_scoped3A, %dma_wait3A_113, %dma_wait3A_114] : memref<2x4x128xi32, #tpu.memory_space<vmem>> -> memref<1x4x128xi32, #tpu.memory_space<vmem>>
      %dma_wait3A_116 = tpu.memref_squeeze %dma_wait3A_115 : memref<1x4x128xi32, #tpu.memory_space<vmem>> -> memref<4x128xi32, #tpu.memory_space<vmem>>
      %dma_wait3A_117 = arith.constant 0 : i32
      %dma_wait3A_118 = tpu.memref_slice %arg2[%mul3A_6, %dma_wait3A_117] : memref<6400x128xi32, #tpu.memory_space<hbm>> -> memref<4x128xi32, #tpu.memory_space<hbm>>
      %dma_wait3A_119 = arith.constant 0 : i32
      %dma_wait3A_120 = arith.constant 0 : i32
      %dma_wait3A_121 = tpu.memref_slice %arg6[%run_scoped3A, %dma_wait3A_119, %dma_wait3A_120] : memref<2x4x128xi32, #tpu.memory_space<vmem>> -> memref<1x4x128xi32, #tpu.memory_space<vmem>>
      %dma_wait3A_122 = tpu.memref_squeeze %dma_wait3A_121 : memref<1x4x128xi32, #tpu.memory_space<vmem>> -> memref<4x128xi32, #tpu.memory_space<vmem>>
      %dma_wait3A_123 = arith.constant 0 : i32
      %dma_wait3A_124 = tpu.memref_slice %arg2[%mul3A_6, %dma_wait3A_123] : memref<6400x128xi32, #tpu.memory_space<hbm>> -> memref<4x128xi32, #tpu.memory_space<hbm>>
      tpu.wait_dma2 semaphore(%run_scoped3A_100 : memref<!tpu.dma_semaphore, #tpu.memory_space<semaphore_mem>>) src(%dma_wait3A_124 : memref<4x128xi32, #tpu.memory_space<hbm>>) dst(%dma_wait3A_122 : memref<4x128xi32, #tpu.memory_space<vmem>>)
      tpu.yield
    }) : () -> ()
    %dma_start3A = arith.constant 0 : i32
    %dma_start3A_7 = arith.constant 0 : i32
    %dma_start3A_8 = arith.constant 0 : i32
    %dma_start3A_9 = arith.constant 0 : i32
    %dma_start3A_10 = arith.constant 0 : i32
    %dma_start3A_11 = tpu.memref_slice %arg7[%dma_start3A_8, %dma_start3A_9, %dma_start3A_10] : memref<2x512x64xf32, #tpu.memory_space<vmem>> -> memref<1x128x64xf32, #tpu.memory_space<vmem>>
    %dma_start3A_12 = tpu.memref_squeeze %dma_start3A_11 : memref<1x128x64xf32, #tpu.memory_space<vmem>> -> memref<128x64xf32, #tpu.memory_space<vmem>>
    %dma_start3A_13 = arith.constant 0 : i32
    %dma_start3A_14 = tpu.memref_slice %arg6[%dma_start3A, %dma_start3A_7, %dma_start3A_13] : memref<2x4x128xi32, #tpu.memory_space<vmem>> -> memref<1x1x128xi32, #tpu.memory_space<vmem>>
    %dma_start3A_15 = tpu.memref_squeeze %dma_start3A_14 : memref<1x1x128xi32, #tpu.memory_space<vmem>> -> memref<128xi32, #tpu.memory_space<vmem>>
    %dma_start3A_16 = arith.constant 0 : i32
    %dma_start3A_17 = arith.constant 0 : i32
    %dma_start3A_18 = tpu.memref_slice %arg3[%dma_start3A_16, %dma_start3A_17] : memref<1000000x64xf32, #tpu.memory_space<hbm>> -> memref<1000000x64xf32, #tpu.memory_space<hbm>>
    tpu.enqueue_indirect_dma source(%dma_start3A_18 : memref<1000000x64xf32, #tpu.memory_space<hbm>>) target(%dma_start3A_12 : memref<128x64xf32, #tpu.memory_space<vmem>>) offsets(%dma_start3A_15 : memref<128xi32, #tpu.memory_space<vmem>>) semaphore(%arg9 : memref<!tpu.dma_semaphore, #tpu.memory_space<semaphore_mem>>)
    %dma_start3A_19 = arith.constant 0 : i32
    %dma_start3A_20 = arith.constant 1 : i32
    %dma_start3A_21 = arith.constant 0 : i32
    %dma_start3A_22 = arith.constant 128 : i32
    %dma_start3A_23 = arith.constant 0 : i32
    %dma_start3A_24 = tpu.memref_slice %arg7[%dma_start3A_21, %dma_start3A_22, %dma_start3A_23] : memref<2x512x64xf32, #tpu.memory_space<vmem>> -> memref<1x128x64xf32, #tpu.memory_space<vmem>>
    %dma_start3A_25 = tpu.memref_squeeze %dma_start3A_24 : memref<1x128x64xf32, #tpu.memory_space<vmem>> -> memref<128x64xf32, #tpu.memory_space<vmem>>
    %dma_start3A_26 = arith.constant 0 : i32
    %dma_start3A_27 = tpu.memref_slice %arg6[%dma_start3A_19, %dma_start3A_20, %dma_start3A_26] : memref<2x4x128xi32, #tpu.memory_space<vmem>> -> memref<1x1x128xi32, #tpu.memory_space<vmem>>
    %dma_start3A_28 = tpu.memref_squeeze %dma_start3A_27 : memref<1x1x128xi32, #tpu.memory_space<vmem>> -> memref<128xi32, #tpu.memory_space<vmem>>
    %dma_start3A_29 = arith.constant 0 : i32
    %dma_start3A_30 = arith.constant 0 : i32
    %dma_start3A_31 = tpu.memref_slice %arg3[%dma_start3A_29, %dma_start3A_30] : memref<1000000x64xf32, #tpu.memory_space<hbm>> -> memref<1000000x64xf32, #tpu.memory_space<hbm>>
    tpu.enqueue_indirect_dma source(%dma_start3A_31 : memref<1000000x64xf32, #tpu.memory_space<hbm>>) target(%dma_start3A_25 : memref<128x64xf32, #tpu.memory_space<vmem>>) offsets(%dma_start3A_28 : memref<128xi32, #tpu.memory_space<vmem>>) semaphore(%arg9 : memref<!tpu.dma_semaphore, #tpu.memory_space<semaphore_mem>>)
    %dma_start3A_32 = arith.constant 0 : i32
    %dma_start3A_33 = arith.constant 2 : i32
    %dma_start3A_34 = arith.constant 0 : i32
    %dma_start3A_35 = arith.constant 256 : i32
    %dma_start3A_36 = arith.constant 0 : i32
    %dma_start3A_37 = tpu.memref_slice %arg7[%dma_start3A_34, %dma_start3A_35, %dma_start3A_36] : memref<2x512x64xf32, #tpu.memory_space<vmem>> -> memref<1x128x64xf32, #tpu.memory_space<vmem>>
    %dma_start3A_38 = tpu.memref_squeeze %dma_start3A_37 : memref<1x128x64xf32, #tpu.memory_space<vmem>> -> memref<128x64xf32, #tpu.memory_space<vmem>>
    %dma_start3A_39 = arith.constant 0 : i32
    %dma_start3A_40 = tpu.memref_slice %arg6[%dma_start3A_32, %dma_start3A_33, %dma_start3A_39] : memref<2x4x128xi32, #tpu.memory_space<vmem>> -> memref<1x1x128xi32, #tpu.memory_space<vmem>>
    %dma_start3A_41 = tpu.memref_squeeze %dma_start3A_40 : memref<1x1x128xi32, #tpu.memory_space<vmem>> -> memref<128xi32, #tpu.memory_space<vmem>>
    %dma_start3A_42 = arith.constant 0 : i32
    %dma_start3A_43 = arith.constant 0 : i32
    %dma_start3A_44 = tpu.memref_slice %arg3[%dma_start3A_42, %dma_start3A_43] : memref<1000000x64xf32, #tpu.memory_space<hbm>> -> memref<1000000x64xf32, #tpu.memory_space<hbm>>
    tpu.enqueue_indirect_dma source(%dma_start3A_44 : memref<1000000x64xf32, #tpu.memory_space<hbm>>) target(%dma_start3A_38 : memref<128x64xf32, #tpu.memory_space<vmem>>) offsets(%dma_start3A_41 : memref<128xi32, #tpu.memory_space<vmem>>) semaphore(%arg9 : memref<!tpu.dma_semaphore, #tpu.memory_space<semaphore_mem>>)
    %dma_start3A_45 = arith.constant 0 : i32
    %dma_start3A_46 = arith.constant 3 : i32
    %dma_start3A_47 = arith.constant 0 : i32
    %dma_start3A_48 = arith.constant 384 : i32
    %dma_start3A_49 = arith.constant 0 : i32
    %dma_start3A_50 = tpu.memref_slice %arg7[%dma_start3A_47, %dma_start3A_48, %dma_start3A_49] : memref<2x512x64xf32, #tpu.memory_space<vmem>> -> memref<1x128x64xf32, #tpu.memory_space<vmem>>
    %dma_start3A_51 = tpu.memref_squeeze %dma_start3A_50 : memref<1x128x64xf32, #tpu.memory_space<vmem>> -> memref<128x64xf32, #tpu.memory_space<vmem>>
    %dma_start3A_52 = arith.constant 0 : i32
    %dma_start3A_53 = tpu.memref_slice %arg6[%dma_start3A_45, %dma_start3A_46, %dma_start3A_52] : memref<2x4x128xi32, #tpu.memory_space<vmem>> -> memref<1x1x128xi32, #tpu.memory_space<vmem>>
    %dma_start3A_54 = tpu.memref_squeeze %dma_start3A_53 : memref<1x1x128xi32, #tpu.memory_space<vmem>> -> memref<128xi32, #tpu.memory_space<vmem>>
    %dma_start3A_55 = arith.constant 0 : i32
    %dma_start3A_56 = arith.constant 0 : i32
    %dma_start3A_57 = tpu.memref_slice %arg3[%dma_start3A_55, %dma_start3A_56] : memref<1000000x64xf32, #tpu.memory_space<hbm>> -> memref<1000000x64xf32, #tpu.memory_space<hbm>>
    tpu.enqueue_indirect_dma source(%dma_start3A_57 : memref<1000000x64xf32, #tpu.memory_space<hbm>>) target(%dma_start3A_51 : memref<128x64xf32, #tpu.memory_space<vmem>>) offsets(%dma_start3A_54 : memref<128xi32, #tpu.memory_space<vmem>>) semaphore(%arg9 : memref<!tpu.dma_semaphore, #tpu.memory_space<semaphore_mem>>)
    %scan3A = arith.constant 0 : i32
    %scan3A_58 = arith.constant 0 : i32
    %scan3A_59 = arith.constant 50 : i32
    %scan3A_60 = arith.addi %scan3A_58, %scan3A_59 : i32
    %scan3A_61 = arith.constant 1 : i32
    scf.for %scan3A_100 = %scan3A_58 to %scan3A_60 step %scan3A_61  : i32 {
      %mul3A_101 = arith.constant 50 : i32
      %mul3A_102 = arith.muli %add3A, %mul3A_101 : i32
      %add3A_103 = arith.addi %mul3A_102, %scan3A_100 : i32
      %jit3A = arith.constant 2 : i32
      %eq3A = arith.constant 0 : i32
      %eq3A_104 = arith.cmpi eq, %jit3A, %eq3A : i32
      %jit3A_105 = arith.constant 1 : i32
      %select_n3A = arith.select %eq3A_104, %jit3A_105, %jit3A : i32
      %rem3A = arith.remsi %scan3A_100, %select_n3A : i32
      %ne3A = arith.constant 0 : i32
      %ne3A_106 = arith.cmpi ne, %rem3A, %ne3A : i32
      %lt3A = arith.constant 0 : i32
      %lt3A_107 = arith.cmpi slt, %rem3A, %lt3A : i32
      %lt3A_108 = arith.constant 0 : i32
      %lt3A_109 = arith.cmpi slt, %select_n3A, %lt3A_108 : i32
      %ne3A_110 = arith.xori %lt3A_107, %lt3A_109 : i1
      %and3A = arith.andi %ne3A_110, %ne3A_106 : i1
      %add3A_111 = arith.addi %rem3A, %select_n3A : i32
      %select_n3A_112 = arith.select %and3A, %add3A_111, %rem3A : i32
      %add3A_113 = arith.constant 1 : i32
      %add3A_114 = arith.addi %scan3A_100, %add3A_113 : i32
      %lt3A_115 = arith.constant 50 : i32
      %lt3A_116 = arith.cmpi slt, %add3A_114, %lt3A_115 : i32
      %convert_element_type3A = arith.extui %lt3A_116 : i1 to i32
      %cond3A = arith.constant 0 : i32
      %cond3A_117 = arith.cmpi ne, %convert_element_type3A, %cond3A : i32
      scf.if %cond3A_117 {
        %add3A_218 = arith.constant 1 : i32
        %add3A_219 = arith.addi %scan3A_100, %add3A_218 : i32
        %add3A_220 = arith.constant 1 : i32
        %add3A_221 = arith.addi %scan3A_100, %add3A_220 : i32
        %jit3A_222 = arith.constant 2 : i32
        %eq3A_223 = arith.constant 0 : i32
        %eq3A_224 = arith.cmpi eq, %jit3A_222, %eq3A_223 : i32
        %jit3A_225 = arith.constant 1 : i32
        %select_n3A_226 = arith.select %eq3A_224, %jit3A_225, %jit3A_222 : i32
        %rem3A_227 = arith.remsi %add3A_221, %select_n3A_226 : i32
        %ne3A_228 = arith.constant 0 : i32
        %ne3A_229 = arith.cmpi ne, %rem3A_227, %ne3A_228 : i32
        %lt3A_230 = arith.constant 0 : i32
        %lt3A_231 = arith.cmpi slt, %rem3A_227, %lt3A_230 : i32
        %lt3A_232 = arith.constant 0 : i32
        %lt3A_233 = arith.cmpi slt, %select_n3A_226, %lt3A_232 : i32
        %ne3A_234 = arith.xori %lt3A_231, %lt3A_233 : i1
        %and3A_235 = arith.andi %ne3A_234, %ne3A_229 : i1
        %add3A_236 = arith.addi %rem3A_227, %select_n3A_226 : i32
        %select_n3A_237 = arith.select %and3A_235, %add3A_236, %rem3A_227 : i32
        %mul3A_238 = arith.constant 50 : i32
        %mul3A_239 = arith.muli %add3A, %mul3A_238 : i32
        %add3A_240 = arith.addi %mul3A_239, %add3A_219 : i32
        %mul3A_241 = arith.constant 4 : i32
        %mul3A_242 = arith.muli %add3A_240, %mul3A_241 : i32
        "tpu.region"() ({
          %run_scoped3A_287 = tpu.sem_alloc : memref<!tpu.dma_semaphore, #tpu.memory_space<semaphore_mem>>
          %dma_start3A_288 = arith.constant 0 : i32
          %dma_start3A_289 = arith.constant 0 : i32
          %dma_start3A_290 = tpu.memref_slice %arg6[%select_n3A_237, %dma_start3A_288, %dma_start3A_289] : memref<2x4x128xi32, #tpu.memory_space<vmem>> -> memref<1x4x128xi32, #tpu.memory_space<vmem>>
          %dma_start3A_291 = tpu.memref_squeeze %dma_start3A_290 : memref<1x4x128xi32, #tpu.memory_space<vmem>> -> memref<4x128xi32, #tpu.memory_space<vmem>>
          %dma_start3A_292 = arith.constant 0 : i32
          %dma_start3A_293 = tpu.memref_slice %arg2[%mul3A_242, %dma_start3A_292] : memref<6400x128xi32, #tpu.memory_space<hbm>> -> memref<4x128xi32, #tpu.memory_space<hbm>>
          %dma_start3A_294 = arith.constant 0 : i32
          %dma_start3A_295 = arith.constant 0 : i32
          %dma_start3A_296 = tpu.memref_slice %arg6[%select_n3A_237, %dma_start3A_294, %dma_start3A_295] : memref<2x4x128xi32, #tpu.memory_space<vmem>> -> memref<1x4x128xi32, #tpu.memory_space<vmem>>
          %dma_start3A_297 = tpu.memref_squeeze %dma_start3A_296 : memref<1x4x128xi32, #tpu.memory_space<vmem>> -> memref<4x128xi32, #tpu.memory_space<vmem>>
          %dma_start3A_298 = arith.constant 0 : i32
          %dma_start3A_299 = tpu.memref_slice %arg2[%mul3A_242, %dma_start3A_298] : memref<6400x128xi32, #tpu.memory_space<hbm>> -> memref<4x128xi32, #tpu.memory_space<hbm>>
          tpu.enqueue_dma source(%dma_start3A_299 : memref<4x128xi32, #tpu.memory_space<hbm>>) target(%dma_start3A_297 : memref<4x128xi32, #tpu.memory_space<vmem>>) target_semaphore(%run_scoped3A_287 : memref<!tpu.dma_semaphore, #tpu.memory_space<semaphore_mem>>)
          %dma_wait3A_300 = arith.constant 0 : i32
          %dma_wait3A_301 = arith.constant 0 : i32
          %dma_wait3A_302 = tpu.memref_slice %arg6[%select_n3A_237, %dma_wait3A_300, %dma_wait3A_301] : memref<2x4x128xi32, #tpu.memory_space<vmem>> -> memref<1x4x128xi32, #tpu.memory_space<vmem>>
          %dma_wait3A_303 = tpu.memref_squeeze %dma_wait3A_302 : memref<1x4x128xi32, #tpu.memory_space<vmem>> -> memref<4x128xi32, #tpu.memory_space<vmem>>
          %dma_wait3A_304 = arith.constant 0 : i32
          %dma_wait3A_305 = tpu.memref_slice %arg2[%mul3A_242, %dma_wait3A_304] : memref<6400x128xi32, #tpu.memory_space<hbm>> -> memref<4x128xi32, #tpu.memory_space<hbm>>
          %dma_wait3A_306 = arith.constant 0 : i32
          %dma_wait3A_307 = arith.constant 0 : i32
          %dma_wait3A_308 = tpu.memref_slice %arg6[%select_n3A_237, %dma_wait3A_306, %dma_wait3A_307] : memref<2x4x128xi32, #tpu.memory_space<vmem>> -> memref<1x4x128xi32, #tpu.memory_space<vmem>>
          %dma_wait3A_309 = tpu.memref_squeeze %dma_wait3A_308 : memref<1x4x128xi32, #tpu.memory_space<vmem>> -> memref<4x128xi32, #tpu.memory_space<vmem>>
          %dma_wait3A_310 = arith.constant 0 : i32
          %dma_wait3A_311 = tpu.memref_slice %arg2[%mul3A_242, %dma_wait3A_310] : memref<6400x128xi32, #tpu.memory_space<hbm>> -> memref<4x128xi32, #tpu.memory_space<hbm>>
          tpu.wait_dma2 semaphore(%run_scoped3A_287 : memref<!tpu.dma_semaphore, #tpu.memory_space<semaphore_mem>>) src(%dma_wait3A_311 : memref<4x128xi32, #tpu.memory_space<hbm>>) dst(%dma_wait3A_309 : memref<4x128xi32, #tpu.memory_space<vmem>>)
          tpu.yield
        }) : () -> ()
        %dma_start3A_243 = arith.constant 0 : i32
        %dma_start3A_244 = arith.constant 0 : i32
        %dma_start3A_245 = arith.constant 0 : i32
        %dma_start3A_246 = tpu.memref_slice %arg7[%select_n3A_237, %dma_start3A_244, %dma_start3A_245] : memref<2x512x64xf32, #tpu.memory_space<vmem>> -> memref<1x128x64xf32, #tpu.memory_space<vmem>>
        %dma_start3A_247 = tpu.memref_squeeze %dma_start3A_246 : memref<1x128x64xf32, #tpu.memory_space<vmem>> -> memref<128x64xf32, #tpu.memory_space<vmem>>
        %dma_start3A_248 = arith.constant 0 : i32
        %dma_start3A_249 = tpu.memref_slice %arg6[%select_n3A_237, %dma_start3A_243, %dma_start3A_248] : memref<2x4x128xi32, #tpu.memory_space<vmem>> -> memref<1x1x128xi32, #tpu.memory_space<vmem>>
        %dma_start3A_250 = tpu.memref_squeeze %dma_start3A_249 : memref<1x1x128xi32, #tpu.memory_space<vmem>> -> memref<128xi32, #tpu.memory_space<vmem>>
        %dma_start3A_251 = arith.constant 0 : i32
        %dma_start3A_252 = arith.constant 0 : i32
        %dma_start3A_253 = tpu.memref_slice %arg3[%dma_start3A_251, %dma_start3A_252] : memref<1000000x64xf32, #tpu.memory_space<hbm>> -> memref<1000000x64xf32, #tpu.memory_space<hbm>>
        tpu.enqueue_indirect_dma source(%dma_start3A_253 : memref<1000000x64xf32, #tpu.memory_space<hbm>>) target(%dma_start3A_247 : memref<128x64xf32, #tpu.memory_space<vmem>>) offsets(%dma_start3A_250 : memref<128xi32, #tpu.memory_space<vmem>>) semaphore(%arg9 : memref<!tpu.dma_semaphore, #tpu.memory_space<semaphore_mem>>)
        %dma_start3A_254 = arith.constant 1 : i32
        %dma_start3A_255 = arith.constant 128 : i32
        %dma_start3A_256 = arith.constant 0 : i32
        %dma_start3A_257 = tpu.memref_slice %arg7[%select_n3A_237, %dma_start3A_255, %dma_start3A_256] : memref<2x512x64xf32, #tpu.memory_space<vmem>> -> memref<1x128x64xf32, #tpu.memory_space<vmem>>
        %dma_start3A_258 = tpu.memref_squeeze %dma_start3A_257 : memref<1x128x64xf32, #tpu.memory_space<vmem>> -> memref<128x64xf32, #tpu.memory_space<vmem>>
        %dma_start3A_259 = arith.constant 0 : i32
        %dma_start3A_260 = tpu.memref_slice %arg6[%select_n3A_237, %dma_start3A_254, %dma_start3A_259] : memref<2x4x128xi32, #tpu.memory_space<vmem>> -> memref<1x1x128xi32, #tpu.memory_space<vmem>>
        %dma_start3A_261 = tpu.memref_squeeze %dma_start3A_260 : memref<1x1x128xi32, #tpu.memory_space<vmem>> -> memref<128xi32, #tpu.memory_space<vmem>>
        %dma_start3A_262 = arith.constant 0 : i32
        %dma_start3A_263 = arith.constant 0 : i32
        %dma_start3A_264 = tpu.memref_slice %arg3[%dma_start3A_262, %dma_start3A_263] : memref<1000000x64xf32, #tpu.memory_space<hbm>> -> memref<1000000x64xf32, #tpu.memory_space<hbm>>
        tpu.enqueue_indirect_dma source(%dma_start3A_264 : memref<1000000x64xf32, #tpu.memory_space<hbm>>) target(%dma_start3A_258 : memref<128x64xf32, #tpu.memory_space<vmem>>) offsets(%dma_start3A_261 : memref<128xi32, #tpu.memory_space<vmem>>) semaphore(%arg9 : memref<!tpu.dma_semaphore, #tpu.memory_space<semaphore_mem>>)
        %dma_start3A_265 = arith.constant 2 : i32
        %dma_start3A_266 = arith.constant 256 : i32
        %dma_start3A_267 = arith.constant 0 : i32
        %dma_start3A_268 = tpu.memref_slice %arg7[%select_n3A_237, %dma_start3A_266, %dma_start3A_267] : memref<2x512x64xf32, #tpu.memory_space<vmem>> -> memref<1x128x64xf32, #tpu.memory_space<vmem>>
        %dma_start3A_269 = tpu.memref_squeeze %dma_start3A_268 : memref<1x128x64xf32, #tpu.memory_space<vmem>> -> memref<128x64xf32, #tpu.memory_space<vmem>>
        %dma_start3A_270 = arith.constant 0 : i32
        %dma_start3A_271 = tpu.memref_slice %arg6[%select_n3A_237, %dma_start3A_265, %dma_start3A_270] : memref<2x4x128xi32, #tpu.memory_space<vmem>> -> memref<1x1x128xi32, #tpu.memory_space<vmem>>
        %dma_start3A_272 = tpu.memref_squeeze %dma_start3A_271 : memref<1x1x128xi32, #tpu.memory_space<vmem>> -> memref<128xi32, #tpu.memory_space<vmem>>
        %dma_start3A_273 = arith.constant 0 : i32
        %dma_start3A_274 = arith.constant 0 : i32
        %dma_start3A_275 = tpu.memref_slice %arg3[%dma_start3A_273, %dma_start3A_274] : memref<1000000x64xf32, #tpu.memory_space<hbm>> -> memref<1000000x64xf32, #tpu.memory_space<hbm>>
        tpu.enqueue_indirect_dma source(%dma_start3A_275 : memref<1000000x64xf32, #tpu.memory_space<hbm>>) target(%dma_start3A_269 : memref<128x64xf32, #tpu.memory_space<vmem>>) offsets(%dma_start3A_272 : memref<128xi32, #tpu.memory_space<vmem>>) semaphore(%arg9 : memref<!tpu.dma_semaphore, #tpu.memory_space<semaphore_mem>>)
        %dma_start3A_276 = arith.constant 3 : i32
        %dma_start3A_277 = arith.constant 384 : i32
        %dma_start3A_278 = arith.constant 0 : i32
        %dma_start3A_279 = tpu.memref_slice %arg7[%select_n3A_237, %dma_start3A_277, %dma_start3A_278] : memref<2x512x64xf32, #tpu.memory_space<vmem>> -> memref<1x128x64xf32, #tpu.memory_space<vmem>>
        %dma_start3A_280 = tpu.memref_squeeze %dma_start3A_279 : memref<1x128x64xf32, #tpu.memory_space<vmem>> -> memref<128x64xf32, #tpu.memory_space<vmem>>
        %dma_start3A_281 = arith.constant 0 : i32
        %dma_start3A_282 = tpu.memref_slice %arg6[%select_n3A_237, %dma_start3A_276, %dma_start3A_281] : memref<2x4x128xi32, #tpu.memory_space<vmem>> -> memref<1x1x128xi32, #tpu.memory_space<vmem>>
        %dma_start3A_283 = tpu.memref_squeeze %dma_start3A_282 : memref<1x1x128xi32, #tpu.memory_space<vmem>> -> memref<128xi32, #tpu.memory_space<vmem>>
        %dma_start3A_284 = arith.constant 0 : i32
        %dma_start3A_285 = arith.constant 0 : i32
        %dma_start3A_286 = tpu.memref_slice %arg3[%dma_start3A_284, %dma_start3A_285] : memref<1000000x64xf32, #tpu.memory_space<hbm>> -> memref<1000000x64xf32, #tpu.memory_space<hbm>>
        tpu.enqueue_indirect_dma source(%dma_start3A_286 : memref<1000000x64xf32, #tpu.memory_space<hbm>>) target(%dma_start3A_280 : memref<128x64xf32, #tpu.memory_space<vmem>>) offsets(%dma_start3A_283 : memref<128xi32, #tpu.memory_space<vmem>>) semaphore(%arg9 : memref<!tpu.dma_semaphore, #tpu.memory_space<semaphore_mem>>)
      } else {
      }
      %dma_wait3A_118 = arith.constant 0 : i32
      %dma_wait3A_119 = arith.constant 0 : i32
      %dma_wait3A_120 = arith.constant 0 : i32
      %dma_wait3A_121 = tpu.memref_slice %arg7[%select_n3A_112, %dma_wait3A_119, %dma_wait3A_120] : memref<2x512x64xf32, #tpu.memory_space<vmem>> -> memref<1x128x64xf32, #tpu.memory_space<vmem>>
      %dma_wait3A_122 = tpu.memref_squeeze %dma_wait3A_121 : memref<1x128x64xf32, #tpu.memory_space<vmem>> -> memref<128x64xf32, #tpu.memory_space<vmem>>
      %dma_wait3A_123 = arith.constant 0 : i32
      %dma_wait3A_124 = tpu.memref_slice %arg6[%select_n3A_112, %dma_wait3A_118, %dma_wait3A_123] : memref<2x4x128xi32, #tpu.memory_space<vmem>> -> memref<1x1x128xi32, #tpu.memory_space<vmem>>
      %dma_wait3A_125 = tpu.memref_squeeze %dma_wait3A_124 : memref<1x1x128xi32, #tpu.memory_space<vmem>> -> memref<128xi32, #tpu.memory_space<vmem>>
      %dma_wait3A_126 = arith.constant 0 : i32
      %dma_wait3A_127 = arith.constant 0 : i32
      %dma_wait3A_128 = tpu.memref_slice %arg3[%dma_wait3A_126, %dma_wait3A_127] : memref<1000000x64xf32, #tpu.memory_space<hbm>> -> memref<1000000x64xf32, #tpu.memory_space<hbm>>
      tpu.wait_indirect_dma semaphore(%arg9 : memref<!tpu.dma_semaphore, #tpu.memory_space<semaphore_mem>>) src(%dma_wait3A_128 : memref<1000000x64xf32, #tpu.memory_space<hbm>>) dst(%dma_wait3A_122 : memref<128x64xf32, #tpu.memory_space<vmem>>)
      %dma_wait3A_129 = arith.constant 1 : i32
      %dma_wait3A_130 = arith.constant 128 : i32
      %dma_wait3A_131 = arith.constant 0 : i32
      %dma_wait3A_132 = tpu.memref_slice %arg7[%select_n3A_112, %dma_wait3A_130, %dma_wait3A_131] : memref<2x512x64xf32, #tpu.memory_space<vmem>> -> memref<1x128x64xf32, #tpu.memory_space<vmem>>
      %dma_wait3A_133 = tpu.memref_squeeze %dma_wait3A_132 : memref<1x128x64xf32, #tpu.memory_space<vmem>> -> memref<128x64xf32, #tpu.memory_space<vmem>>
      %dma_wait3A_134 = arith.constant 0 : i32
      %dma_wait3A_135 = tpu.memref_slice %arg6[%select_n3A_112, %dma_wait3A_129, %dma_wait3A_134] : memref<2x4x128xi32, #tpu.memory_space<vmem>> -> memref<1x1x128xi32, #tpu.memory_space<vmem>>
      %dma_wait3A_136 = tpu.memref_squeeze %dma_wait3A_135 : memref<1x1x128xi32, #tpu.memory_space<vmem>> -> memref<128xi32, #tpu.memory_space<vmem>>
      %dma_wait3A_137 = arith.constant 0 : i32
      %dma_wait3A_138 = arith.constant 0 : i32
      %dma_wait3A_139 = tpu.memref_slice %arg3[%dma_wait3A_137, %dma_wait3A_138] : memref<1000000x64xf32, #tpu.memory_space<hbm>> -> memref<1000000x64xf32, #tpu.memory_space<hbm>>
      tpu.wait_indirect_dma semaphore(%arg9 : memref<!tpu.dma_semaphore, #tpu.memory_space<semaphore_mem>>) src(%dma_wait3A_139 : memref<1000000x64xf32, #tpu.memory_space<hbm>>) dst(%dma_wait3A_133 : memref<128x64xf32, #tpu.memory_space<vmem>>)
      %dma_wait3A_140 = arith.constant 2 : i32
      %dma_wait3A_141 = arith.constant 256 : i32
      %dma_wait3A_142 = arith.constant 0 : i32
      %dma_wait3A_143 = tpu.memref_slice %arg7[%select_n3A_112, %dma_wait3A_141, %dma_wait3A_142] : memref<2x512x64xf32, #tpu.memory_space<vmem>> -> memref<1x128x64xf32, #tpu.memory_space<vmem>>
      %dma_wait3A_144 = tpu.memref_squeeze %dma_wait3A_143 : memref<1x128x64xf32, #tpu.memory_space<vmem>> -> memref<128x64xf32, #tpu.memory_space<vmem>>
      %dma_wait3A_145 = arith.constant 0 : i32
      %dma_wait3A_146 = tpu.memref_slice %arg6[%select_n3A_112, %dma_wait3A_140, %dma_wait3A_145] : memref<2x4x128xi32, #tpu.memory_space<vmem>> -> memref<1x1x128xi32, #tpu.memory_space<vmem>>
      %dma_wait3A_147 = tpu.memref_squeeze %dma_wait3A_146 : memref<1x1x128xi32, #tpu.memory_space<vmem>> -> memref<128xi32, #tpu.memory_space<vmem>>
      %dma_wait3A_148 = arith.constant 0 : i32
      %dma_wait3A_149 = arith.constant 0 : i32
      %dma_wait3A_150 = tpu.memref_slice %arg3[%dma_wait3A_148, %dma_wait3A_149] : memref<1000000x64xf32, #tpu.memory_space<hbm>> -> memref<1000000x64xf32, #tpu.memory_space<hbm>>
      tpu.wait_indirect_dma semaphore(%arg9 : memref<!tpu.dma_semaphore, #tpu.memory_space<semaphore_mem>>) src(%dma_wait3A_150 : memref<1000000x64xf32, #tpu.memory_space<hbm>>) dst(%dma_wait3A_144 : memref<128x64xf32, #tpu.memory_space<vmem>>)
      %dma_wait3A_151 = arith.constant 3 : i32
      %dma_wait3A_152 = arith.constant 384 : i32
      %dma_wait3A_153 = arith.constant 0 : i32
      %dma_wait3A_154 = tpu.memref_slice %arg7[%select_n3A_112, %dma_wait3A_152, %dma_wait3A_153] : memref<2x512x64xf32, #tpu.memory_space<vmem>> -> memref<1x128x64xf32, #tpu.memory_space<vmem>>
      %dma_wait3A_155 = tpu.memref_squeeze %dma_wait3A_154 : memref<1x128x64xf32, #tpu.memory_space<vmem>> -> memref<128x64xf32, #tpu.memory_space<vmem>>
      %dma_wait3A_156 = arith.constant 0 : i32
      %dma_wait3A_157 = tpu.memref_slice %arg6[%select_n3A_112, %dma_wait3A_151, %dma_wait3A_156] : memref<2x4x128xi32, #tpu.memory_space<vmem>> -> memref<1x1x128xi32, #tpu.memory_space<vmem>>
      %dma_wait3A_158 = tpu.memref_squeeze %dma_wait3A_157 : memref<1x1x128xi32, #tpu.memory_space<vmem>> -> memref<128xi32, #tpu.memory_space<vmem>>
      %dma_wait3A_159 = arith.constant 0 : i32
      %dma_wait3A_160 = arith.constant 0 : i32
      %dma_wait3A_161 = tpu.memref_slice %arg3[%dma_wait3A_159, %dma_wait3A_160] : memref<1000000x64xf32, #tpu.memory_space<hbm>> -> memref<1000000x64xf32, #tpu.memory_space<hbm>>
      tpu.wait_indirect_dma semaphore(%arg9 : memref<!tpu.dma_semaphore, #tpu.memory_space<semaphore_mem>>) src(%dma_wait3A_161 : memref<1000000x64xf32, #tpu.memory_space<hbm>>) dst(%dma_wait3A_155 : memref<128x64xf32, #tpu.memory_space<vmem>>)
      %jit3A_162 = arith.constant 8 : i32
      %div3A = arith.divsi %add3A_103, %jit3A_162 : i32
      %sign3A = arith.constant 0 : i32
      %sign3A_163 = arith.cmpi sgt, %add3A_103, %sign3A : i32
      %sign3A_164 = arith.extui %sign3A_163 : i1 to i32
      %sign3A_165 = arith.constant 0 : i32
      %sign3A_166 = arith.cmpi slt, %add3A_103, %sign3A_165 : i32
      %sign3A_167 = arith.extui %sign3A_166 : i1 to i32
      %sign3A_168 = arith.subi %sign3A_164, %sign3A_167 : i32
      %sign3A_169 = arith.constant 0 : i32
      %sign3A_170 = arith.cmpi sgt, %jit3A_162, %sign3A_169 : i32
      %sign3A_171 = arith.extui %sign3A_170 : i1 to i32
      %sign3A_172 = arith.constant 0 : i32
      %sign3A_173 = arith.cmpi slt, %jit3A_162, %sign3A_172 : i32
      %sign3A_174 = arith.extui %sign3A_173 : i1 to i32
      %sign3A_175 = arith.subi %sign3A_171, %sign3A_174 : i32
      %ne3A_176 = arith.cmpi ne, %sign3A_168, %sign3A_175 : i32
      %rem3A_177 = arith.remsi %add3A_103, %jit3A_162 : i32
      %ne3A_178 = arith.constant 0 : i32
      %ne3A_179 = arith.cmpi ne, %rem3A_177, %ne3A_178 : i32
      %and3A_180 = arith.andi %ne3A_176, %ne3A_179 : i1
      %sub3A = arith.constant 1 : i32
      %sub3A_181 = arith.subi %div3A, %sub3A : i32
      %select_n3A_182 = arith.select %and3A_180, %sub3A_181, %div3A : i32
      %get3A = arith.index_cast %select_n3A_182 : i32 to index
      %get3A_183 = arith.constant 0 : index
      %get3A_184 = tpu.vector_load %arg8[%get3A, %get3A_183] {strides = array<i32>} : memref<200x64xf32, #tpu.memory_space<vmem>>, vector<16xf32>,
      %get3A_185 = arith.index_cast %select_n3A_182 : i32 to index
      %get3A_186 = arith.constant 16 : index
      %get3A_187 = tpu.vector_load %arg8[%get3A_185, %get3A_186] {strides = array<i32>} : memref<200x64xf32, #tpu.memory_space<vmem>>, vector<16xf32>,
      %get3A_188 = arith.index_cast %select_n3A_182 : i32 to index
      %get3A_189 = arith.constant 32 : index
      %get3A_190 = tpu.vector_load %arg8[%get3A_188, %get3A_189] {strides = array<i32>} : memref<200x64xf32, #tpu.memory_space<vmem>>, vector<16xf32>,
      %get3A_191 = arith.index_cast %select_n3A_182 : i32 to index
      %get3A_192 = arith.constant 48 : index
      %get3A_193 = tpu.vector_load %arg8[%get3A_191, %get3A_192] {strides = array<i32>} : memref<200x64xf32, #tpu.memory_space<vmem>>, vector<16xf32>,
      %scan3A_194 = arith.constant 0 : i32
      %scan3A_195 = arith.constant 0 : i32
      %scan3A_196 = arith.constant 512 : i32
      %scan3A_197 = arith.addi %scan3A_195, %scan3A_196 : i32
      %scan3A_198 = arith.constant 8 : i32
      scf.for %scan3A_218 = %scan3A_195 to %scan3A_197 step %scan3A_198  : i32 {
        %swap3A = arith.index_cast %select_n3A_112 : i32 to index
        %swap3A_219 = arith.index_cast %scan3A_218 : i32 to index
        %swap3A_220 = arith.constant 0 : index
        %swap3A_221 = tpu.vector_load %arg7[%swap3A, %swap3A_219, %swap3A_220] {strides = array<i32>} : memref<2x512x64xf32, #tpu.memory_space<vmem>>, vector<16xf32>,
        tpu.vector_store %arg7[%swap3A, %swap3A_219, %swap3A_220], %get3A_184 {add = true, strides = array<i32>} : memref<2x512x64xf32, #tpu.memory_space<vmem>>, vector<16xf32>,
        %swap3A_222 = arith.index_cast %select_n3A_112 : i32 to index
        %swap3A_223 = arith.index_cast %scan3A_218 : i32 to index
        %swap3A_224 = arith.constant 16 : index
        %swap3A_225 = tpu.vector_load %arg7[%swap3A_222, %swap3A_223, %swap3A_224] {strides = array<i32>} : memref<2x512x64xf32, #tpu.memory_space<vmem>>, vector<16xf32>,
        tpu.vector_store %arg7[%swap3A_222, %swap3A_223, %swap3A_224], %get3A_187 {add = true, strides = array<i32>} : memref<2x512x64xf32, #tpu.memory_space<vmem>>, vector<16xf32>,
        %swap3A_226 = arith.index_cast %select_n3A_112 : i32 to index
        %swap3A_227 = arith.index_cast %scan3A_218 : i32 to index
        %swap3A_228 = arith.constant 32 : index
        %swap3A_229 = tpu.vector_load %arg7[%swap3A_226, %swap3A_227, %swap3A_228] {strides = array<i32>} : memref<2x512x64xf32, #tpu.memory_space<vmem>>, vector<16xf32>,
        tpu.vector_store %arg7[%swap3A_226, %swap3A_227, %swap3A_228], %get3A_190 {add = true, strides = array<i32>} : memref<2x512x64xf32, #tpu.memory_space<vmem>>, vector<16xf32>,
        %swap3A_230 = arith.index_cast %select_n3A_112 : i32 to index
        %swap3A_231 = arith.index_cast %scan3A_218 : i32 to index
        %swap3A_232 = arith.constant 48 : index
        %swap3A_233 = tpu.vector_load %arg7[%swap3A_230, %swap3A_231, %swap3A_232] {strides = array<i32>} : memref<2x512x64xf32, #tpu.memory_space<vmem>>, vector<16xf32>,
        tpu.vector_store %arg7[%swap3A_230, %swap3A_231, %swap3A_232], %get3A_193 {add = true, strides = array<i32>} : memref<2x512x64xf32, #tpu.memory_space<vmem>>, vector<16xf32>,
        %scan3A_234 = arith.constant 1 : i32
        %scan3A_235 = arith.addi %scan3A_218, %scan3A_234 : i32
        %swap3A_236 = arith.index_cast %select_n3A_112 : i32 to index
        %swap3A_237 = arith.index_cast %scan3A_235 : i32 to index
        %swap3A_238 = arith.constant 0 : index
        %swap3A_239 = tpu.vector_load %arg7[%swap3A_236, %swap3A_237, %swap3A_238] {strides = array<i32>} : memref<2x512x64xf32, #tpu.memory_space<vmem>>, vector<16xf32>,
        tpu.vector_store %arg7[%swap3A_236, %swap3A_237, %swap3A_238], %get3A_184 {add = true, strides = array<i32>} : memref<2x512x64xf32, #tpu.memory_space<vmem>>, vector<16xf32>,
        %swap3A_240 = arith.index_cast %select_n3A_112 : i32 to index
        %swap3A_241 = arith.index_cast %scan3A_235 : i32 to index
        %swap3A_242 = arith.constant 16 : index
        %swap3A_243 = tpu.vector_load %arg7[%swap3A_240, %swap3A_241, %swap3A_242] {strides = array<i32>} : memref<2x512x64xf32, #tpu.memory_space<vmem>>, vector<16xf32>,
        tpu.vector_store %arg7[%swap3A_240, %swap3A_241, %swap3A_242], %get3A_187 {add = true, strides = array<i32>} : memref<2x512x64xf32, #tpu.memory_space<vmem>>, vector<16xf32>,
        %swap3A_244 = arith.index_cast %select_n3A_112 : i32 to index
        %swap3A_245 = arith.index_cast %scan3A_235 : i32 to index
        %swap3A_246 = arith.constant 32 : index
        %swap3A_247 = tpu.vector_load %arg7[%swap3A_244, %swap3A_245, %swap3A_246] {strides = array<i32>} : memref<2x512x64xf32, #tpu.memory_space<vmem>>, vector<16xf32>,
        tpu.vector_store %arg7[%swap3A_244, %swap3A_245, %swap3A_246], %get3A_190 {add = true, strides = array<i32>} : memref<2x512x64xf32, #tpu.memory_space<vmem>>, vector<16xf32>,
        %swap3A_248 = arith.index_cast %select_n3A_112 : i32 to index
        %swap3A_249 = arith.index_cast %scan3A_235 : i32 to index
        %swap3A_250 = arith.constant 48 : index
        %swap3A_251 = tpu.vector_load %arg7[%swap3A_248, %swap3A_249, %swap3A_250] {strides = array<i32>} : memref<2x512x64xf32, #tpu.memory_space<vmem>>, vector<16xf32>,
        tpu.vector_store %arg7[%swap3A_248, %swap3A_249, %swap3A_250], %get3A_193 {add = true, strides = array<i32>} : memref<2x512x64xf32, #tpu.memory_space<vmem>>, vector<16xf32>,
        %scan3A_252 = arith.constant 2 : i32
        %scan3A_253 = arith.addi %scan3A_218, %scan3A_252 : i32
        %swap3A_254 = arith.index_cast %select_n3A_112 : i32 to index
        %swap3A_255 = arith.index_cast %scan3A_253 : i32 to index
        %swap3A_256 = arith.constant 0 : index
        %swap3A_257 = tpu.vector_load %arg7[%swap3A_254, %swap3A_255, %swap3A_256] {strides = array<i32>} : memref<2x512x64xf32, #tpu.memory_space<vmem>>, vector<16xf32>,
        tpu.vector_store %arg7[%swap3A_254, %swap3A_255, %swap3A_256], %get3A_184 {add = true, strides = array<i32>} : memref<2x512x64xf32, #tpu.memory_space<vmem>>, vector<16xf32>,
        %swap3A_258 = arith.index_cast %select_n3A_112 : i32 to index
        %swap3A_259 = arith.index_cast %scan3A_253 : i32 to index
        %swap3A_260 = arith.constant 16 : index
        %swap3A_261 = tpu.vector_load %arg7[%swap3A_258, %swap3A_259, %swap3A_260] {strides = array<i32>} : memref<2x512x64xf32, #tpu.memory_space<vmem>>, vector<16xf32>,
        tpu.vector_store %arg7[%swap3A_258, %swap3A_259, %swap3A_260], %get3A_187 {add = true, strides = array<i32>} : memref<2x512x64xf32, #tpu.memory_space<vmem>>, vector<16xf32>,
        %swap3A_262 = arith.index_cast %select_n3A_112 : i32 to index
        %swap3A_263 = arith.index_cast %scan3A_253 : i32 to index
        %swap3A_264 = arith.constant 32 : index
        %swap3A_265 = tpu.vector_load %arg7[%swap3A_262, %swap3A_263, %swap3A_264] {strides = array<i32>} : memref<2x512x64xf32, #tpu.memory_space<vmem>>, vector<16xf32>,
        tpu.vector_store %arg7[%swap3A_262, %swap3A_263, %swap3A_264], %get3A_190 {add = true, strides = array<i32>} : memref<2x512x64xf32, #tpu.memory_space<vmem>>, vector<16xf32>,
        %swap3A_266 = arith.index_cast %select_n3A_112 : i32 to index
        %swap3A_267 = arith.index_cast %scan3A_253 : i32 to index
        %swap3A_268 = arith.constant 48 : index
        %swap3A_269 = tpu.vector_load %arg7[%swap3A_266, %swap3A_267, %swap3A_268] {strides = array<i32>} : memref<2x512x64xf32, #tpu.memory_space<vmem>>, vector<16xf32>,
        tpu.vector_store %arg7[%swap3A_266, %swap3A_267, %swap3A_268], %get3A_193 {add = true, strides = array<i32>} : memref<2x512x64xf32, #tpu.memory_space<vmem>>, vector<16xf32>,
        %scan3A_270 = arith.constant 3 : i32
        %scan3A_271 = arith.addi %scan3A_218, %scan3A_270 : i32
        %swap3A_272 = arith.index_cast %select_n3A_112 : i32 to index
        %swap3A_273 = arith.index_cast %scan3A_271 : i32 to index
        %swap3A_274 = arith.constant 0 : index
        %swap3A_275 = tpu.vector_load %arg7[%swap3A_272, %swap3A_273, %swap3A_274] {strides = array<i32>} : memref<2x512x64xf32, #tpu.memory_space<vmem>>, vector<16xf32>,
        tpu.vector_store %arg7[%swap3A_272, %swap3A_273, %swap3A_274], %get3A_184 {add = true, strides = array<i32>} : memref<2x512x64xf32, #tpu.memory_space<vmem>>, vector<16xf32>,
        %swap3A_276 = arith.index_cast %select_n3A_112 : i32 to index
        %swap3A_277 = arith.index_cast %scan3A_271 : i32 to index
        %swap3A_278 = arith.constant 16 : index
        %swap3A_279 = tpu.vector_load %arg7[%swap3A_276, %swap3A_277, %swap3A_278] {strides = array<i32>} : memref<2x512x64xf32, #tpu.memory_space<vmem>>, vector<16xf32>,
        tpu.vector_store %arg7[%swap3A_276, %swap3A_277, %swap3A_278], %get3A_187 {add = true, strides = array<i32>} : memref<2x512x64xf32, #tpu.memory_space<vmem>>, vector<16xf32>,
        %swap3A_280 = arith.index_cast %select_n3A_112 : i32 to index
        %swap3A_281 = arith.index_cast %scan3A_271 : i32 to index
        %swap3A_282 = arith.constant 32 : index
        %swap3A_283 = tpu.vector_load %arg7[%swap3A_280, %swap3A_281, %swap3A_282] {strides = array<i32>} : memref<2x512x64xf32, #tpu.memory_space<vmem>>, vector<16xf32>,
        tpu.vector_store %arg7[%swap3A_280, %swap3A_281, %swap3A_282], %get3A_190 {add = true, strides = array<i32>} : memref<2x512x64xf32, #tpu.memory_space<vmem>>, vector<16xf32>,
        %swap3A_284 = arith.index_cast %select_n3A_112 : i32 to index
        %swap3A_285 = arith.index_cast %scan3A_271 : i32 to index
        %swap3A_286 = arith.constant 48 : index
        %swap3A_287 = tpu.vector_load %arg7[%swap3A_284, %swap3A_285, %swap3A_286] {strides = array<i32>} : memref<2x512x64xf32, #tpu.memory_space<vmem>>, vector<16xf32>,
        tpu.vector_store %arg7[%swap3A_284, %swap3A_285, %swap3A_286], %get3A_193 {add = true, strides = array<i32>} : memref<2x512x64xf32, #tpu.memory_space<vmem>>, vector<16xf32>,
        %scan3A_288 = arith.constant 4 : i32
        %scan3A_289 = arith.addi %scan3A_218, %scan3A_288 : i32
        %swap3A_290 = arith.index_cast %select_n3A_112 : i32 to index
        %swap3A_291 = arith.index_cast %scan3A_289 : i32 to index
        %swap3A_292 = arith.constant 0 : index
        %swap3A_293 = tpu.vector_load %arg7[%swap3A_290, %swap3A_291, %swap3A_292] {strides = array<i32>} : memref<2x512x64xf32, #tpu.memory_space<vmem>>, vector<16xf32>,
        tpu.vector_store %arg7[%swap3A_290, %swap3A_291, %swap3A_292], %get3A_184 {add = true, strides = array<i32>} : memref<2x512x64xf32, #tpu.memory_space<vmem>>, vector<16xf32>,
        %swap3A_294 = arith.index_cast %select_n3A_112 : i32 to index
        %swap3A_295 = arith.index_cast %scan3A_289 : i32 to index
        %swap3A_296 = arith.constant 16 : index
        %swap3A_297 = tpu.vector_load %arg7[%swap3A_294, %swap3A_295, %swap3A_296] {strides = array<i32>} : memref<2x512x64xf32, #tpu.memory_space<vmem>>, vector<16xf32>,
        tpu.vector_store %arg7[%swap3A_294, %swap3A_295, %swap3A_296], %get3A_187 {add = true, strides = array<i32>} : memref<2x512x64xf32, #tpu.memory_space<vmem>>, vector<16xf32>,
        %swap3A_298 = arith.index_cast %select_n3A_112 : i32 to index
        %swap3A_299 = arith.index_cast %scan3A_289 : i32 to index
        %swap3A_300 = arith.constant 32 : index
        %swap3A_301 = tpu.vector_load %arg7[%swap3A_298, %swap3A_299, %swap3A_300] {strides = array<i32>} : memref<2x512x64xf32, #tpu.memory_space<vmem>>, vector<16xf32>,
        tpu.vector_store %arg7[%swap3A_298, %swap3A_299, %swap3A_300], %get3A_190 {add = true, strides = array<i32>} : memref<2x512x64xf32, #tpu.memory_space<vmem>>, vector<16xf32>,
        %swap3A_302 = arith.index_cast %select_n3A_112 : i32 to index
        %swap3A_303 = arith.index_cast %scan3A_289 : i32 to index
        %swap3A_304 = arith.constant 48 : index
        %swap3A_305 = tpu.vector_load %arg7[%swap3A_302, %swap3A_303, %swap3A_304] {strides = array<i32>} : memref<2x512x64xf32, #tpu.memory_space<vmem>>, vector<16xf32>,
        tpu.vector_store %arg7[%swap3A_302, %swap3A_303, %swap3A_304], %get3A_193 {add = true, strides = array<i32>} : memref<2x512x64xf32, #tpu.memory_space<vmem>>, vector<16xf32>,
        %scan3A_306 = arith.constant 5 : i32
        %scan3A_307 = arith.addi %scan3A_218, %scan3A_306 : i32
        %swap3A_308 = arith.index_cast %select_n3A_112 : i32 to index
        %swap3A_309 = arith.index_cast %scan3A_307 : i32 to index
        %swap3A_310 = arith.constant 0 : index
        %swap3A_311 = tpu.vector_load %arg7[%swap3A_308, %swap3A_309, %swap3A_310] {strides = array<i32>} : memref<2x512x64xf32, #tpu.memory_space<vmem>>, vector<16xf32>,
        tpu.vector_store %arg7[%swap3A_308, %swap3A_309, %swap3A_310], %get3A_184 {add = true, strides = array<i32>} : memref<2x512x64xf32, #tpu.memory_space<vmem>>, vector<16xf32>,
        %swap3A_312 = arith.index_cast %select_n3A_112 : i32 to index
        %swap3A_313 = arith.index_cast %scan3A_307 : i32 to index
        %swap3A_314 = arith.constant 16 : index
        %swap3A_315 = tpu.vector_load %arg7[%swap3A_312, %swap3A_313, %swap3A_314] {strides = array<i32>} : memref<2x512x64xf32, #tpu.memory_space<vmem>>, vector<16xf32>,
        tpu.vector_store %arg7[%swap3A_312, %swap3A_313, %swap3A_314], %get3A_187 {add = true, strides = array<i32>} : memref<2x512x64xf32, #tpu.memory_space<vmem>>, vector<16xf32>,
        %swap3A_316 = arith.index_cast %select_n3A_112 : i32 to index
        %swap3A_317 = arith.index_cast %scan3A_307 : i32 to index
        %swap3A_318 = arith.constant 32 : index
        %swap3A_319 = tpu.vector_load %arg7[%swap3A_316, %swap3A_317, %swap3A_318] {strides = array<i32>} : memref<2x512x64xf32, #tpu.memory_space<vmem>>, vector<16xf32>,
        tpu.vector_store %arg7[%swap3A_316, %swap3A_317, %swap3A_318], %get3A_190 {add = true, strides = array<i32>} : memref<2x512x64xf32, #tpu.memory_space<vmem>>, vector<16xf32>,
        %swap3A_320 = arith.index_cast %select_n3A_112 : i32 to index
        %swap3A_321 = arith.index_cast %scan3A_307 : i32 to index
        %swap3A_322 = arith.constant 48 : index
        %swap3A_323 = tpu.vector_load %arg7[%swap3A_320, %swap3A_321, %swap3A_322] {strides = array<i32>} : memref<2x512x64xf32, #tpu.memory_space<vmem>>, vector<16xf32>,
        tpu.vector_store %arg7[%swap3A_320, %swap3A_321, %swap3A_322], %get3A_193 {add = true, strides = array<i32>} : memref<2x512x64xf32, #tpu.memory_space<vmem>>, vector<16xf32>,
        %scan3A_324 = arith.constant 6 : i32
        %scan3A_325 = arith.addi %scan3A_218, %scan3A_324 : i32
        %swap3A_326 = arith.index_cast %select_n3A_112 : i32 to index
        %swap3A_327 = arith.index_cast %scan3A_325 : i32 to index
        %swap3A_328 = arith.constant 0 : index
        %swap3A_329 = tpu.vector_load %arg7[%swap3A_326, %swap3A_327, %swap3A_328] {strides = array<i32>} : memref<2x512x64xf32, #tpu.memory_space<vmem>>, vector<16xf32>,
        tpu.vector_store %arg7[%swap3A_326, %swap3A_327, %swap3A_328], %get3A_184 {add = true, strides = array<i32>} : memref<2x512x64xf32, #tpu.memory_space<vmem>>, vector<16xf32>,
        %swap3A_330 = arith.index_cast %select_n3A_112 : i32 to index
        %swap3A_331 = arith.index_cast %scan3A_325 : i32 to index
        %swap3A_332 = arith.constant 16 : index
        %swap3A_333 = tpu.vector_load %arg7[%swap3A_330, %swap3A_331, %swap3A_332] {strides = array<i32>} : memref<2x512x64xf32, #tpu.memory_space<vmem>>, vector<16xf32>,
        tpu.vector_store %arg7[%swap3A_330, %swap3A_331, %swap3A_332], %get3A_187 {add = true, strides = array<i32>} : memref<2x512x64xf32, #tpu.memory_space<vmem>>, vector<16xf32>,
        %swap3A_334 = arith.index_cast %select_n3A_112 : i32 to index
        %swap3A_335 = arith.index_cast %scan3A_325 : i32 to index
        %swap3A_336 = arith.constant 32 : index
        %swap3A_337 = tpu.vector_load %arg7[%swap3A_334, %swap3A_335, %swap3A_336] {strides = array<i32>} : memref<2x512x64xf32, #tpu.memory_space<vmem>>, vector<16xf32>,
        tpu.vector_store %arg7[%swap3A_334, %swap3A_335, %swap3A_336], %get3A_190 {add = true, strides = array<i32>} : memref<2x512x64xf32, #tpu.memory_space<vmem>>, vector<16xf32>,
        %swap3A_338 = arith.index_cast %select_n3A_112 : i32 to index
        %swap3A_339 = arith.index_cast %scan3A_325 : i32 to index
        %swap3A_340 = arith.constant 48 : index
        %swap3A_341 = tpu.vector_load %arg7[%swap3A_338, %swap3A_339, %swap3A_340] {strides = array<i32>} : memref<2x512x64xf32, #tpu.memory_space<vmem>>, vector<16xf32>,
        tpu.vector_store %arg7[%swap3A_338, %swap3A_339, %swap3A_340], %get3A_193 {add = true, strides = array<i32>} : memref<2x512x64xf32, #tpu.memory_space<vmem>>, vector<16xf32>,
        %scan3A_342 = arith.constant 7 : i32
        %scan3A_343 = arith.addi %scan3A_218, %scan3A_342 : i32
        %swap3A_344 = arith.index_cast %select_n3A_112 : i32 to index
        %swap3A_345 = arith.index_cast %scan3A_343 : i32 to index
        %swap3A_346 = arith.constant 0 : index
        %swap3A_347 = tpu.vector_load %arg7[%swap3A_344, %swap3A_345, %swap3A_346] {strides = array<i32>} : memref<2x512x64xf32, #tpu.memory_space<vmem>>, vector<16xf32>,
        tpu.vector_store %arg7[%swap3A_344, %swap3A_345, %swap3A_346], %get3A_184 {add = true, strides = array<i32>} : memref<2x512x64xf32, #tpu.memory_space<vmem>>, vector<16xf32>,
        %swap3A_348 = arith.index_cast %select_n3A_112 : i32 to index
        %swap3A_349 = arith.index_cast %scan3A_343 : i32 to index
        %swap3A_350 = arith.constant 16 : index
        %swap3A_351 = tpu.vector_load %arg7[%swap3A_348, %swap3A_349, %swap3A_350] {strides = array<i32>} : memref<2x512x64xf32, #tpu.memory_space<vmem>>, vector<16xf32>,
        tpu.vector_store %arg7[%swap3A_348, %swap3A_349, %swap3A_350], %get3A_187 {add = true, strides = array<i32>} : memref<2x512x64xf32, #tpu.memory_space<vmem>>, vector<16xf32>,
        %swap3A_352 = arith.index_cast %select_n3A_112 : i32 to index
        %swap3A_353 = arith.index_cast %scan3A_343 : i32 to index
        %swap3A_354 = arith.constant 32 : index
        %swap3A_355 = tpu.vector_load %arg7[%swap3A_352, %swap3A_353, %swap3A_354] {strides = array<i32>} : memref<2x512x64xf32, #tpu.memory_space<vmem>>, vector<16xf32>,
        tpu.vector_store %arg7[%swap3A_352, %swap3A_353, %swap3A_354], %get3A_190 {add = true, strides = array<i32>} : memref<2x512x64xf32, #tpu.memory_space<vmem>>, vector<16xf32>,
        %swap3A_356 = arith.index_cast %select_n3A_112 : i32 to index
        %swap3A_357 = arith.index_cast %scan3A_343 : i32 to index
        %swap3A_358 = arith.constant 48 : index
        %swap3A_359 = tpu.vector_load %arg7[%swap3A_356, %swap3A_357, %swap3A_358] {strides = array<i32>} : memref<2x512x64xf32, #tpu.memory_space<vmem>>, vector<16xf32>,
        tpu.vector_store %arg7[%swap3A_356, %swap3A_357, %swap3A_358], %get3A_193 {add = true, strides = array<i32>} : memref<2x512x64xf32, #tpu.memory_space<vmem>>, vector<16xf32>,
      }
      %scan3A_199 = arith.constant 512 : i32
      %ge3A = arith.constant 2 : i32
      %ge3A_200 = arith.cmpi sge, %scan3A_100, %ge3A : i32
      %convert_element_type3A_201 = arith.extui %ge3A_200 : i1 to i32
      %cond3A_202 = arith.constant 0 : i32
      %cond3A_203 = arith.cmpi ne, %convert_element_type3A_201, %cond3A_202 : i32
      scf.if %cond3A_203 {
        %sub3A_218 = arith.constant 2 : i32
        %sub3A_219 = arith.subi %add3A_103, %sub3A_218 : i32
        %mul3A_220 = arith.constant 512 : i32
        %mul3A_221 = arith.muli %sub3A_219, %mul3A_220 : i32
        %dma_wait3A_222 = arith.constant 0 : i32
        %dma_wait3A_223 = arith.constant 0 : i32
        %dma_wait3A_224 = tpu.memref_slice %arg7[%select_n3A_112, %dma_wait3A_222, %dma_wait3A_223] : memref<2x512x64xf32, #tpu.memory_space<vmem>> -> memref<1x512x64xf32, #tpu.memory_space<vmem>>
        %dma_wait3A_225 = tpu.memref_squeeze %dma_wait3A_224 : memref<1x512x64xf32, #tpu.memory_space<vmem>> -> memref<512x64xf32, #tpu.memory_space<vmem>>
        %dma_wait3A_226 = arith.constant 0 : i32
        %dma_wait3A_227 = tpu.memref_slice %arg5[%mul3A_221, %dma_wait3A_226] : memref<819200x64xf32, #tpu.memory_space<hbm>> -> memref<512x64xf32, #tpu.memory_space<hbm>>
        %dma_wait3A_228 = arith.constant 0 : i32
        %dma_wait3A_229 = tpu.memref_slice %arg5[%mul3A_221, %dma_wait3A_228] : memref<819200x64xf32, #tpu.memory_space<hbm>> -> memref<512x64xf32, #tpu.memory_space<hbm>>
        %dma_wait3A_230 = arith.constant 0 : i32
        %dma_wait3A_231 = arith.constant 0 : i32
        %dma_wait3A_232 = tpu.memref_slice %arg7[%select_n3A_112, %dma_wait3A_230, %dma_wait3A_231] : memref<2x512x64xf32, #tpu.memory_space<vmem>> -> memref<1x512x64xf32, #tpu.memory_space<vmem>>
        %dma_wait3A_233 = tpu.memref_squeeze %dma_wait3A_232 : memref<1x512x64xf32, #tpu.memory_space<vmem>> -> memref<512x64xf32, #tpu.memory_space<vmem>>
        tpu.wait_dma2 semaphore(%arg10 : memref<!tpu.dma_semaphore, #tpu.memory_space<semaphore_mem>>) src(%dma_wait3A_233 : memref<512x64xf32, #tpu.memory_space<vmem>>) dst(%dma_wait3A_229 : memref<512x64xf32, #tpu.memory_space<hbm>>)
      } else {
      }
      %mul3A_204 = arith.constant 512 : i32
      %mul3A_205 = arith.muli %add3A_103, %mul3A_204 : i32
      %dma_start3A_206 = arith.constant 0 : i32
      %dma_start3A_207 = arith.constant 0 : i32
      %dma_start3A_208 = tpu.memref_slice %arg7[%select_n3A_112, %dma_start3A_206, %dma_start3A_207] : memref<2x512x64xf32, #tpu.memory_space<vmem>> -> memref<1x512x64xf32, #tpu.memory_space<vmem>>
      %dma_start3A_209 = tpu.memref_squeeze %dma_start3A_208 : memref<1x512x64xf32, #tpu.memory_space<vmem>> -> memref<512x64xf32, #tpu.memory_space<vmem>>
      %dma_start3A_210 = arith.constant 0 : i32
      %dma_start3A_211 = tpu.memref_slice %arg5[%mul3A_205, %dma_start3A_210] : memref<819200x64xf32, #tpu.memory_space<hbm>> -> memref<512x64xf32, #tpu.memory_space<hbm>>
      %dma_start3A_212 = arith.constant 0 : i32
      %dma_start3A_213 = tpu.memref_slice %arg5[%mul3A_205, %dma_start3A_212] : memref<819200x64xf32, #tpu.memory_space<hbm>> -> memref<512x64xf32, #tpu.memory_space<hbm>>
      %dma_start3A_214 = arith.constant 0 : i32
      %dma_start3A_215 = arith.constant 0 : i32
      %dma_start3A_216 = tpu.memref_slice %arg7[%select_n3A_112, %dma_start3A_214, %dma_start3A_215] : memref<2x512x64xf32, #tpu.memory_space<vmem>> -> memref<1x512x64xf32, #tpu.memory_space<vmem>>
      %dma_start3A_217 = tpu.memref_squeeze %dma_start3A_216 : memref<1x512x64xf32, #tpu.memory_space<vmem>> -> memref<512x64xf32, #tpu.memory_space<vmem>>
      tpu.enqueue_dma source(%dma_start3A_217 : memref<512x64xf32, #tpu.memory_space<vmem>>) target(%dma_start3A_213 : memref<512x64xf32, #tpu.memory_space<hbm>>) target_semaphore(%arg10 : memref<!tpu.dma_semaphore, #tpu.memory_space<semaphore_mem>>)
    }
    %scan3A_62 = arith.constant 50 : i32
    %mul3A_63 = arith.constant 50 : i32
    %mul3A_64 = arith.muli %add3A, %mul3A_63 : i32
    %add3A_65 = arith.constant 48 : i32
    %add3A_66 = arith.addi %mul3A_64, %add3A_65 : i32
    %mul3A_67 = arith.constant 512 : i32
    %mul3A_68 = arith.muli %add3A_66, %mul3A_67 : i32
    %dma_wait3A = arith.constant 0 : i32
    %dma_wait3A_69 = arith.constant 0 : i32
    %dma_wait3A_70 = arith.constant 0 : i32
    %dma_wait3A_71 = tpu.memref_slice %arg7[%dma_wait3A, %dma_wait3A_69, %dma_wait3A_70] : memref<2x512x64xf32, #tpu.memory_space<vmem>> -> memref<1x512x64xf32, #tpu.memory_space<vmem>>
    %dma_wait3A_72 = tpu.memref_squeeze %dma_wait3A_71 : memref<1x512x64xf32, #tpu.memory_space<vmem>> -> memref<512x64xf32, #tpu.memory_space<vmem>>
    %dma_wait3A_73 = arith.constant 0 : i32
    %dma_wait3A_74 = tpu.memref_slice %arg5[%mul3A_68, %dma_wait3A_73] : memref<819200x64xf32, #tpu.memory_space<hbm>> -> memref<512x64xf32, #tpu.memory_space<hbm>>
    %dma_wait3A_75 = arith.constant 0 : i32
    %dma_wait3A_76 = tpu.memref_slice %arg5[%mul3A_68, %dma_wait3A_75] : memref<819200x64xf32, #tpu.memory_space<hbm>> -> memref<512x64xf32, #tpu.memory_space<hbm>>
    %dma_wait3A_77 = arith.constant 0 : i32
    %dma_wait3A_78 = arith.constant 0 : i32
    %dma_wait3A_79 = tpu.memref_slice %arg7[%dma_wait3A, %dma_wait3A_77, %dma_wait3A_78] : memref<2x512x64xf32, #tpu.memory_space<vmem>> -> memref<1x512x64xf32, #tpu.memory_space<vmem>>
    %dma_wait3A_80 = tpu.memref_squeeze %dma_wait3A_79 : memref<1x512x64xf32, #tpu.memory_space<vmem>> -> memref<512x64xf32, #tpu.memory_space<vmem>>
    tpu.wait_dma2 semaphore(%arg10 : memref<!tpu.dma_semaphore, #tpu.memory_space<semaphore_mem>>) src(%dma_wait3A_80 : memref<512x64xf32, #tpu.memory_space<vmem>>) dst(%dma_wait3A_76 : memref<512x64xf32, #tpu.memory_space<hbm>>)
    %mul3A_81 = arith.constant 50 : i32
    %mul3A_82 = arith.muli %add3A, %mul3A_81 : i32
    %add3A_83 = arith.constant 49 : i32
    %add3A_84 = arith.addi %mul3A_82, %add3A_83 : i32
    %mul3A_85 = arith.constant 512 : i32
    %mul3A_86 = arith.muli %add3A_84, %mul3A_85 : i32
    %dma_wait3A_87 = arith.constant 1 : i32
    %dma_wait3A_88 = arith.constant 0 : i32
    %dma_wait3A_89 = arith.constant 0 : i32
    %dma_wait3A_90 = tpu.memref_slice %arg7[%dma_wait3A_87, %dma_wait3A_88, %dma_wait3A_89] : memref<2x512x64xf32, #tpu.memory_space<vmem>> -> memref<1x512x64xf32, #tpu.memory_space<vmem>>
    %dma_wait3A_91 = tpu.memref_squeeze %dma_wait3A_90 : memref<1x512x64xf32, #tpu.memory_space<vmem>> -> memref<512x64xf32, #tpu.memory_space<vmem>>
    %dma_wait3A_92 = arith.constant 0 : i32
    %dma_wait3A_93 = tpu.memref_slice %arg5[%mul3A_86, %dma_wait3A_92] : memref<819200x64xf32, #tpu.memory_space<hbm>> -> memref<512x64xf32, #tpu.memory_space<hbm>>
    %dma_wait3A_94 = arith.constant 0 : i32
    %dma_wait3A_95 = tpu.memref_slice %arg5[%mul3A_86, %dma_wait3A_94] : memref<819200x64xf32, #tpu.memory_space<hbm>> -> memref<512x64xf32, #tpu.memory_space<hbm>>
    %dma_wait3A_96 = arith.constant 0 : i32
    %dma_wait3A_97 = arith.constant 0 : i32
    %dma_wait3A_98 = tpu.memref_slice %arg7[%dma_wait3A_87, %dma_wait3A_96, %dma_wait3A_97] : memref<2x512x64xf32, #tpu.memory_space<vmem>> -> memref<1x512x64xf32, #tpu.memory_space<vmem>>
    %dma_wait3A_99 = tpu.memref_squeeze %dma_wait3A_98 : memref<1x512x64xf32, #tpu.memory_space<vmem>> -> memref<512x64xf32, #tpu.memory_space<vmem>>
    tpu.wait_dma2 semaphore(%arg10 : memref<!tpu.dma_semaphore, #tpu.memory_space<semaphore_mem>>) src(%dma_wait3A_99 : memref<512x64xf32, #tpu.memory_space<vmem>>) dst(%dma_wait3A_95 : memref<512x64xf32, #tpu.memory_space<hbm>>)
    return
  }
}

</mosaic_0001>

<sc_bundles>
// kernel: _run.3.cloned.1.call-start
scs
__scs_entry_jumppad:
0x0: {  	(pc) =	sbr.rel $0x88, $3  }
0x1: {  	(tag) =	ssettag $0x0;
	lr =	simm.s32 $0x1  }
0x2: {  	[smem:$0x3F9E] =	sst lr;
	_ =	strace $0xD0000000  }
0x3: {  	_ = 	snop  }
0x4: {  	_ = 	snop  }
0x5: {  	_ = 	snop  }
0x6: {  	_ = 	snop  }
0x7: {  	_ = 	snop  }
__scs_overlays_trampoline_lowered:
0x8: {  	[smem:$0x3FAD] =	sst s0  }
0x9: {  	[smem:$0x3FAE] =	sst s1  }
0xa: {  	[smem:$0x3FAF] =	sst s2  }
0xb: {  	[smem:$0x3FB0] =	sst s3  }
0xc: {  	[smem:$0x3FB1] =	sst s4  }
0xd: {  	[smem:$0x3FB2] =	sst s5  }
0xe: {  	[smem:$0x3FB3] =	sst s6  }
0xf: {  	[smem:$0x3FB4] =	sst s7  }
0x10: {  	[smem:$0x3FB5] =	sst s8  }
0x11: {  	[smem:$0x3FB6] =	sst s9;
	s0 =	simm.s32 @!p0 $0x0  }
0x12: {  	s1 =	sld [smem:$0x3F9C];
	s0 =	simm.s32 @p0 $0x1  }
0x13: {  	[smem:$0x3FB7] =	sst s0;
	s0 =	simm.s32 @!p1 $0x0  }
0x14: {  	s2 =	sld [smem:$0x3F9B];
	s0 =	simm.s32 @p1 $0x1  }
0x15: {  	[smem:$0x3FB8] =	sst s0;
	s0 =	simm.s32 @!p2 $0x0  }
0x16: {  	s3 =	sld [smem:$0x3FDB];
	s0 =	simm.s32 @p2 $0x1  }
0x17: {  	s4 =	simm.s32 $0x1BF5;
	[smem:$0x3FBA] =	sst s0  }
0x18: {  	s0 =	sld [smem:$0x3F9D];
	_ =	swait.ge [sflag:s4], $0x0  }
0x19: {  	s7 =	sld [smem:$0x3F9E]  }
0x1a: {  	s8 =	sadd.s32 $0xFFFFE003, lr  }
0x1b: {  	s9 =	sadd.s32 $0xFFFFFEF7, lr;
	s5 =	simm.s32 $0xFFFFFFFF;
	p2 =	slt.u32 s8, $0xFFFFF086  }
0x1c: {  	p1 =	slt.u32 s9, $0xF7A;
	s5 =	simm.s32 @!p2 $0x0  }
0x1d: {  	s5 =	simm.s32 @p1 $0x1;
	p0 =	seq.s32 s7, s2  }
0x1e: {  	s7 =	smul.u32 @!p0 $0xF7A, s2;
	p2 =	seq.s32 @!p0 s5, $0x0  }
0x1f: {  	s9 =	smul.u32 $0xF7A, s1;
	s8 =	simm.s32 @!p0 $0x1BF5;
	p2 =	por !p2, p0  }
0x20: {  	[sflag:s8] =	ssyncset.s32 @!p0 $0xFFFFF086;
	s6 =	sadd.s32 @!p0 s3, s7;
	s7 =	simm.s32 @!p0 $0x108  }
0x21: {  	s3 =	sadd.s32 s3, s9;
	s6 =	sadd.s32 @!p0 $0x88, s6;
	s7 =	simm.s32 @p2 $0x1082  }
0x22: {  	[simem:s7], [sflag:s8] =	dma.local @!p0 [hbm:s6], $0xF7A  }
0x23: {  	s9 =	sor.u32 $0xD0000000, s2;
	s6 =	simm.s32 $0x108;
	_ =	swait.ge @!p0 [sflag:s8], $0x0  }
0x24: {  	s3 =	sadd.s32 $0x88, s3;
	s6 =	simm.s32 @!p1 $0x1082;
	[sflag:s4] =	ssyncset.s32 $0xFFFFF086  }
0x25: {  	[simem:s6], [sflag:s4] =	dma.local [hbm:s3], $0xF7A  }
0x26: {  	[smem:$0x3F9E] =	sst s1;
	(tag) =	ssettag s2;
	_ =	strace s9  }
0x27: {  	s1 =	sld [smem:$0x3FAE]  }
0x28: {  	s2 =	sld [smem:$0x3FAF]  }
0x29: {  	s4 =	sld [smem:$0x3FB1]  }
0x2a: {  	p0 =	seq.s32 s5, $0x0;
	s5 =	sld [smem:$0x3FB2]  }
0x2b: {  	s6 =	sld [smem:$0x3FB3]  }
0x2c: {  	s7 =	sld [smem:$0x3FB4]  }
0x2d: {  	s3 =	simm.s32 $0x108;
	s8 =	sld [smem:$0x3FB5]  }
0x2e: {  	s3 =	simm.s32 @!p0 $0x1082;
	s9 =	sld [smem:$0x3FB6]  }
0x2f: {  	lr =	sadd.s32 s0, s3;
	s0 =	sld [smem:$0x3FAD]  }
0x30: {  	s3 =	sld [smem:$0x3FB0]  }
0x31: {  	[smem:$0x3FB9] =	sst s10  }
0x32: {  	s10 =	sld [smem:$0x3FB7];
	_ =	sdelay $0x3  }
0x33: {  	p0 =	seq.s32 s10, $0x1;
	s10 =	sld [smem:$0x3FB9];
	_ =	sdelay $0x3  }
0x34: {  	[smem:$0x3FB9] =	sst s10  }
0x35: {  	s10 =	sld [smem:$0x3FB8];
	_ =	sdelay $0x3  }
0x36: {  	p1 =	seq.s32 s10, $0x1;
	s10 =	sld [smem:$0x3FB9];
	_ =	sdelay $0x3  }
0x37: {  	[smem:$0x3FB9] =	sst s10  }
0x38: {  	s10 =	sld [smem:$0x3FBA]  }
0x39: {  	_ = 	snop;
	(pc) =	sbr.ind lr, $3  }
0x3a: {  	_ = 	snop  }
0x3b: {  	_ = 	snop  }
0x3c: {  	p2 =	seq.s32 s10, $0x1;
	s10 =	sld [smem:$0x3FB9]  }
0x3d: {  	_ =	shalt  }
0x3e: {  	_ =	shalt  }
0x3f: {  	_ =	shalt  }
0x40: {  	_ =	shalt  }
0x41: {  	_ =	shalt  }
0x42: {  	_ =	shalt  }
0x43: {  	_ =	shalt  }
0x44: {  	_ =	shalt  }
0x45: {  	_ =	shalt  }
0x46: {  	_ =	shalt  }
0x47: {  	_ =	shalt  }
0x48: {  	_ =	shalt  }
0x49: {  	_ =	shalt  }
0x4a: {  	_ =	shalt  }
0x4b: {  	_ =	shalt  }
0x4c: {  	_ =	shalt  }
0x4d: {  	_ =	shalt  }
0x4e: {  	_ =	shalt  }
0x4f: {  	_ =	shalt  }
0x50: {  	_ =	shalt  }
0x51: {  	_ =	shalt  }
0x52: {  	_ =	shalt  }
0x53: {  	_ =	shalt  }
0x54: {  	_ =	shalt  }
0x55: {  	_ =	shalt  }
0x56: {  	_ =	shalt  }
0x57: {  	_ =	shalt  }
0x58: {  	_ =	shalt  }
0x59: {  	_ =	shalt  }
0x5a: {  	_ =	shalt  }
0x5b: {  	_ =	shalt  }
0x5c: {  	_ =	shalt  }
0x5d: {  	_ =	shalt  }
0x5e: {  	_ =	shalt  }
0x5f: {  	_ =	shalt  }
0x60: {  	_ =	shalt  }
0x61: {  	_ =	shalt  }
0x62: {  	_ =	shalt  }
0x63: {  	_ =	shalt  }
0x64: {  	_ =	shalt  }
0x65: {  	_ =	shalt  }
0x66: {  	_ =	shalt  }
0x67: {  	_ =	shalt  }
0x68: {  	_ =	shalt  }
0x69: {  	_ =	shalt  }
0x6a: {  	_ =	shalt  }
0x6b: {  	_ =	shalt  }
0x6c: {  	_ =	shalt  }
0x6d: {  	_ =	shalt  }
0x6e: {  	_ =	shalt  }
0x6f: {  	_ =	shalt  }
0x70: {  	_ =	shalt  }
0x71: {  	_ =	shalt  }
0x72: {  	_ =	shalt  }
0x73: {  	_ =	shalt  }
0x74: {  	_ =	shalt  }
0x75: {  	_ =	shalt  }
0x76: {  	_ =	shalt  }
0x77: {  	_ =	shalt  }
0x78: {  	_ =	shalt  }
0x79: {  	_ =	shalt  }
0x7a: {  	_ =	shalt  }
0x7b: {  	_ =	shalt  }
0x7c: {  	_ =	shalt  }
0x7d: {  	_ =	shalt  }
0x7e: {  	_ =	shalt  }
0x7f: {  	_ =	shalt  }
0x80: {  	_ =	shalt  }
0x81: {  	_ =	shalt  }
0x82: {  	_ =	shalt  }
0x83: {  	_ =	shalt  }
0x84: {  	_ =	shalt  }
0x85: {  	_ =	shalt  }
0x86: {  	_ =	shalt  }
0x87: {  	_ =	shalt  }
.Lfunc_end0:
.L_simem_size_0:
called_computation.1_lowered:
.L_overlay_start_0:
0x88: {  	s2 =	sld [smem:$0x3FD9]  }
0x89: {  	s3 =	sld [smem:$0x3FFE];
	_ =	sdelay $0x1  }
0x8a: {  	s1 =	srdreg.scid  }
0x8b: {  	s0 =	sand.u32 $0x1, s1  }
0x8c: {  	s17 =	sshll.u32 s0, $0xA;
	s2 =	sadd.s32 s3, s2  }
0x8d: {  	s2 =	sadd.s32 s2, s17  }
0x8e: {  	[smem:$0x3FC5] =	sst s2  }
0x8f: {  	_ = 	snop  }
0x90: {  	s2 =	sld [smem:$0x3FD0];
	(tm) =	ssettm $0x1  }
0x91: {  	s18 =	sld [smem:$0x3FFB];
	_ =	sdelay $0x3  }
0x92: {  	_ =	strace s18  }
0x93: {  	s3 =	sld [smem:$0x3FFC];
	_ =	sdelay $0x3  }
0x94: {  	_ =	strace s3  }
0x95: {  	s3 =	sld [smem:$0x3FFD];
	_ =	sdelay $0x3  }
0x96: {  	_ =	strace s3  }
0x97: {  	_ =	strace $0x8FFFFFFF  }
0x98: {  	s19 =	sld [smem:$0x3FDB];
	_ =	sdelay $0x1  }
0x99: {  	s4 =	simm.s32 $_scs_section_size  }
0x9a: {  	s5 =	simm.s32 $_size__tile_overlayer_lowered;
	s6 =	simm.s32 $_tile_overlayer_lowered  }
0x9b: {  	s22 =	simm.s32 $0x1BFF;
	s21 =	sshll.u32 s6, $0x1;
	s3 =	sadd.s32 s4, s19  }
0x9c: {  	s7 =	simm.s32 $0x0;
	s20 =	sshll.u32 s5, $0x1;
	s5 =	sadd.s32 s21, s3  }
0x9d: {  	[timem:s7], [sflag:s22] =	dma.local [hbm:s5], s20  }
0x9e: {  	_ =	swait.ge [sflag:s22], s20  }
0x9f: {  	s4 =	ssub.s32 $0x0, s20;
	[sflag:s22] =	ssyncset.done $0x0  }
0xa0: {  	[sflag:s22] =	ssyncadd.s32 s4;
	_ =	sdelay $0x1  }
0xa1: {  	s23 =	simm.s32 $0x1B8B  }
0xa2: {  	_ =	swait.ge [sflag:s23], $0x1  }
0xa3: {  	[sflag:s23] =	ssyncset.done $0x0  }
0xa4: {  	s25 =	simm.s32 $0x1B8E;
	s24 =	sld [smem:$0x3FFE];
	[sflag:s23] =	ssyncadd.s32 $0xFFFFFFFF  }
0xa5: {  	s26 =	simm.s32 $execute0_lowered;
	[smem:$0x3FD2] =	sst s25  }
0xa6: {  	s5 =	sshll.u32 s26, $0x1;
	_ =	strace $0x80000046;
	[dreg:$0x1] =	wrdreg $0xFFFFFFFF  }
0xa7: {  	s28 =	simm.s32 $_size_execute0_lowered;
	s3 =	sadd.s32 s3, s5;
	[dreg:$0x0] =	wrdreg $0x0  }
0xa8: {  	s5 =	sshll.u32 s28, $0x1;
	[dreg:$0x2] =	wrdreg s3  }
0xa9: {  	[dreg:$0x3] =	wrdreg s5  }
0xaa: {  	[dreg:$0x4] =	wrdreg $0xC0  }
0xab: {  	_ =	task [dreg:s7], $0x5FFFF  }
0xac: {  	[dreg:$0x1] =	wrdreg $0xFFFFFFFF  }
0xad: {  	[dreg:$0x0] =	wrdreg $0x60  }
0xae: {  	[dreg:$0x2] =	wrdreg s24  }
0xaf: {  	[dreg:$0x3] =	wrdreg s2  }
0xb0: {  	[dreg:$0x4] =	wrdreg $0x9  }
0xb1: {  	_ =	task.clear_ibuf [dreg:s7], $0x5FFFF;
	_ =	strace $0x90000046  }
0xb2: {  	s29 =	simm.s32 $0x9;
	_ =	strace $0x80000048  }
0xb3: {  	_ =	swait.ge [sflag:s29], $0x1  }
0xb4: {  	[sflag:s29] =	ssyncadd.s32 $0xFFFFFFFF  }
0xb5: {  	_ =	strace $0x90000048  }
0xb6: {  	_ =	sfence  }
0xb7: {  	s30 =	sld [smem:$0x0];
	_ =	sdelay $0x2  }
0xb8: {  	s31 =	sshll.u32 s1, $0xD;
	s1 =	sshrl.u32 s1, $0x2  }
0xb9: {  	s3 =	sand.u32 $0x4000, s31;
	s1 =	sadd.s32 s1, s30  }
0xba: {  	s0 =	sor.u32 s3, s0;
	s1 =	sshll.u32 s1, $0x11  }
0xbb: {  	s0 =	sor.u32 s1, s0  }
0xbc: {  	s0 =	sadd.s32 $0x8F2B, s0  }
0xbd: {  	[sflag:s0] =	ssyncadd.remote.s32 $0x1  }
0xbe: {  	_ =	sfence.sel $0xFFFF  }
0xbf: {  	[dreg:$0x0] =	wrdreg $0xFFFFFFFF;
	(pc) =	sbr.abs _section_cstart, $3  }
0xc0: {  	[dreg:$0x1] =	wrdreg $0xFFFFFFFF  }
0xc1: {  	_ =	task.clear_ibuf [dreg:s7], $0x2FFFF;
	_ =	strace $0x9FFFFFFF  }
0xc2: {  	(tm) =	ssettm $0x7FFFFFFF  }
0xc3: {  	_ =	shalt  }
tec
execute0_lowered:
.L_overlay_start_1:
0x0: {  	(tag) =	ssettag $0x1  }
0x1: {  	s6 =	rddreg [dreg:$0x0]  }
0x2: {  	s2 =	rddreg [dreg:$0x1]  }
0x3: {  	s0 =	rddreg [dreg:$0x2]  }
0x4: {  	s3 =	simm.s32 $0x0;
	s4 =	srdreg.scid;
	s1 =	stileid.u32  }
0x5: {  	s11 =	simm.s32 $0x3;
	s12 =	simm.s32 $0x80;
	s13 =	simm.s32 $0x400  }
0x6: {  	s14 =	simm.s32 $0x2400;
	s15 =	simm.s32 $0x100;
	s16 =	simm.s32 $0x4400  }
0x7: {  	s17 =	simm.s32 $0x180;
	s18 =	simm.s32 $0x6400;
	s19 =	simm.s32 $0x1  }
0x8: {  	s20 =	simm.s32 $0x2;
	s21 =	simm.s32 $0x0;
	[smem:$0x7FF] =	sst s3  }
0x9: {  	s4 =	sand.u32 $0x1, s4;
	s5 =	sshll.u32 s1, $0x1;
	_ =	strace $0x80000047  }
0xa: {  	s7 =	ssub.s32 $0x2, s4;
	s8 =	sor.u32 s4, s5;
	s4 =	sadd.s32 $0xC00, s6  }
0xb: {  	s5 =	sadd.s32 $0xF43000, s6;
	s9 =	sshrl.u32 s7, $0x1;
	s10 =	smul.u32 $0xC80, s8  }
0xc: {  	s6 =	sadd.s32 $0x19C00, s6;
	s8 =	smul.u32 $0x32, s8;
	s9 =	ssub.s32 s7, s9  }
0xd: {  	s7 =	sadd.s32 s4, s10;
	s9 =	smax.u32 s9, $0x1;
	s10 =	simm.s32 $0x10400  }
.LBB2_1:
0xe: {  	[tilespmem:s10], [sflag:$0x3] =	stream.linear.gather [hbm4b:s6+s3], $0x3200, $0x38;
	[tilespmem:$0x13600] =	vst v63  }
0xf: {  	_ =	swait.ge [sflag:s11], $0x3200  }
0x10: {  	[sflag:s11] =	ssyncset.done $0x0  }
0x11: {  	[sflag:s11] =	ssyncadd.s32 $0xFFFFCE00  }
0x12: {  	[tilespmem:s3], [sflag:$0x3] =	stream.linear.gather [hbm4b:s7+s3], $0x200, $0x38;
	[tilespmem:$0x13600] =	vst v63  }
0x13: {  	_ =	swait.ge [sflag:s11], $0x200  }
0x14: {  	[sflag:s11] =	ssyncset.done $0x0  }
0x15: {  	[sflag:s11] =	ssyncadd.s32 $0xFFFFFE00  }
0x16: {  	[tilespmem:s13], [sflag:$0x1] =	stream.indirect.gather [hbm4b:s5+s12], $0x40, s3, s12, $0xb8;
	[tilespmem:$0x13600] =	vst v63  }
0x17: {  	_ = 	snop  }
0x18: {  	[tilespmem:s14], [sflag:$0x1] =	stream.indirect.gather [hbm4b:s5+s12], $0x40, s12, s12, $0xb8;
	[tilespmem:$0x13600] =	vst v63  }
0x19: {  	_ = 	snop  }
0x1a: {  	[tilespmem:s16], [sflag:$0x1] =	stream.indirect.gather [hbm4b:s5+s12], $0x40, s15, s12, $0xb8;
	[tilespmem:$0x13600] =	vst v63  }
0x1b: {  	p0 =	por $0x0, $0x0;
	s23 =	simm.s32 $0x0  }
0x1c: {  	[tilespmem:s18], [sflag:$0x1] =	stream.indirect.gather [hbm4b:s5+s12], $0x40, s17, s12, $0xb8;
	[tilespmem:$0x13600] =	vst v63  }
.LBB2_2:
0x1d: {  	s22 =	sadd.s32 $0x1, s23;
	p1 =	seq.s32 s23, $0x31  }
0x1e: {  	s24 =	sadd.s32 @!p1 s8, s22  }
0x1f: {  	s24 =	sshll.u32 @!p1 s24, $0x6  }
0x20: {  	s25 =	sand.u32 @!p1 $0x1, s22;
	s24 =	sand.u32 @!p1 $0x1FFFFFC0, s24  }
0x21: {  	s28 =	simm.s32 @!p1 $0x0;
	s26 =	sshll.u32 @!p1 s25, $0x9;
	s24 =	sadd.s32 @!p1 s4, s24  }
0x22: {  	[tilespmem:s26], [sflag:$0x3] =	stream.linear.gather @!p1 [hbm4b:s24+s28], $0x200, $0x38;
	[tilespmem:$0x13600] =	vst v63  }
0x23: {  	s24 =	simm.s32 @!p1 $0x3  }
0x24: {  	_ =	swait.ge @!p1 [sflag:s24], $0x200  }
0x25: {  	s25 =	sshll.u32 @!p1 s25, $0xF;
	[sflag:s24] =	ssyncset.done @!p1 $0x0  }
0x26: {  	s28 =	simm.s32 @!p1 $0x80;
	[sflag:s24] =	ssyncadd.s32 @!p1 $0xFFFFFE00;
	s24 =	sor.u32 @!p1 $0x400, s25  }
0x27: {  	[tilespmem:s24], [sflag:$0x1] =	stream.indirect.gather @!p1 [hbm4b:s5+s28], $0x40, s26, s28, $0xb8;
	[tilespmem:$0x13600] =	vst v63  }
0x28: {  	s29 =	sor.u32 @!p1 $0x80, s26;
	s24 =	sor.u32 @!p1 $0x2400, s25  }
0x29: {  	[tilespmem:s24], [sflag:$0x1] =	stream.indirect.gather @!p1 [hbm4b:s5+s28], $0x40, s29, s28, $0xb8;
	[tilespmem:$0x13600] =	vst v63  }
0x2a: {  	s24 =	sor.u32 @!p1 $0x4400, s25;
	s29 =	sor.u32 @!p1 $0x100, s26  }
0x2b: {  	[tilespmem:s24], [sflag:$0x1] =	stream.indirect.gather @!p1 [hbm4b:s5+s28], $0x40, s29, s28, $0xb8;
	[tilespmem:$0x13600] =	vst v63  }
0x2c: {  	s24 =	sor.u32 @!p1 $0x6400, s25;
	s25 =	sor.u32 @!p1 $0x180, s26  }
0x2d: {  	[tilespmem:s24], [sflag:$0x1] =	stream.indirect.gather @!p1 [hbm4b:s5+s28], $0x40, s25, s28, $0xb8;
	[tilespmem:$0x13600] =	vst v63  }
0x2e: {  	_ =	swait.ge [sflag:s19], $0x2000  }
0x2f: {  	[sflag:s19] =	ssyncset.done $0x0  }
0x30: {  	[sflag:s19] =	ssyncadd.s32 $0xFFFFE000  }
0x31: {  	_ =	swait.ge [sflag:s19], $0x2000  }
0x32: {  	[sflag:s19] =	ssyncset.done $0x0  }
0x33: {  	[sflag:s19] =	ssyncadd.s32 $0xFFFFE000  }
0x34: {  	_ =	swait.ge [sflag:s19], $0x2000  }
0x35: {  	[sflag:s19] =	ssyncset.done $0x0  }
0x36: {  	[sflag:s19] =	ssyncadd.s32 $0xFFFFE000  }
0x37: {  	s24 =	sadd.s32 s8, s23;
	_ =	swait.ge [sflag:s19], $0x2000  }
0x38: {  	s30 =	sshll.u32 s24, $0x3;
	[sflag:s19] =	ssyncset.done $0x0  }
0x39: {  	s25 =	sand.u32 $0x7FFFFFC0, s30;
	[sflag:s19] =	ssyncadd.s32 $0xFFFFE000  }
0x3a: {  	v0 =	vld [tilespmem:s25+$0x10400]  }
0x3b: {  	s26 =	simm.s32 $0x1;
	v1 =	vld [tilespmem:s25+$0x10430]  }
0x3c: {  	s26 =	simm.s32 @!p0 $0x0;
	v3 =	vld [tilespmem:s25+$0x10420]  }
0x3d: {  	s26 =	sshll.u32 s26, $0xF;
	v2 =	vld [tilespmem:s25+$0x10410]  }
0x3e: {  	s25 =	sor.u32 $0x400, s26  }
0x3f: {  	[tilespmem:s25+$0x0] =	vst.add.f32.msk $0xffff, v0  }
0x40: {  	[tilespmem:s25+$0x1F0] =	vst.add.f32.msk $0xffff, v1  }
0x41: {  	[tilespmem:s25+$0x1E0] =	vst.add.f32.msk $0xffff, v3  }
0x42: {  	[tilespmem:s25+$0x1D0] =	vst.add.f32.msk $0xffff, v2  }
0x43: {  	[tilespmem:s25+$0x1C0] =	vst.add.f32.msk $0xffff, v0  }
0x44: {  	[tilespmem:s25+$0x1B0] =	vst.add.f32.msk $0xffff, v1  }
0x45: {  	[tilespmem:s25+$0x1A0] =	vst.add.f32.msk $0xffff, v3  }
0x46: {  	[tilespmem:s25+$0x190] =	vst.add.f32.msk $0xffff, v2  }
0x47: {  	[tilespmem:s25+$0x180] =	vst.add.f32.msk $0xffff, v0  }
0x48: {  	[tilespmem:s25+$0x170] =	vst.add.f32.msk $0xffff, v1  }
0x49: {  	[tilespmem:s25+$0x160] =	vst.add.f32.msk $0xffff, v3  }
0x4a: {  	[tilespmem:s25+$0x150] =	vst.add.f32.msk $0xffff, v2  }
0x4b: {  	[tilespmem:s25+$0x140] =	vst.add.f32.msk $0xffff, v0  }
0x4c: {  	[tilespmem:s25+$0x130] =	vst.add.f32.msk $0xffff, v1  }
0x4d: {  	[tilespmem:s25+$0x120] =	vst.add.f32.msk $0xffff, v3  }
0x4e: {  	[tilespmem:s25+$0x110] =	vst.add.f32.msk $0xffff, v2  }
0x4f: {  	[tilespmem:s25+$0x100] =	vst.add.f32.msk $0xffff, v0  }
0x50: {  	[tilespmem:s25+$0xF0] =	vst.add.f32.msk $0xffff, v1  }
0x51: {  	[tilespmem:s25+$0xE0] =	vst.add.f32.msk $0xffff, v3  }
0x52: {  	[tilespmem:s25+$0xD0] =	vst.add.f32.msk $0xffff, v2  }
0x53: {  	[tilespmem:s25+$0xC0] =	vst.add.f32.msk $0xffff, v0  }
0x54: {  	[tilespmem:s25+$0xB0] =	vst.add.f32.msk $0xffff, v1  }
0x55: {  	[tilespmem:s25+$0xA0] =	vst.add.f32.msk $0xffff, v3  }
0x56: {  	[tilespmem:s25+$0x90] =	vst.add.f32.msk $0xffff, v2  }
0x57: {  	[tilespmem:s25+$0x80] =	vst.add.f32.msk $0xffff, v0  }
0x58: {  	[tilespmem:s25+$0x70] =	vst.add.f32.msk $0xffff, v1  }
0x59: {  	[tilespmem:s25+$0x60] =	vst.add.f32.msk $0xffff, v3  }
0x5a: {  	[tilespmem:s25+$0x50] =	vst.add.f32.msk $0xffff, v2  }
0x5b: {  	s31 =	sshll.u32 s23, $0xF;
	[tilespmem:s25+$0x40] =	vst.add.f32.msk $0xffff, v0  }
0x5c: {  	s26 =	sand.u32 $0x8000, s31;
	[tilespmem:s25+$0x30] =	vst.add.f32.msk $0xffff, v1  }
0x5d: {  	s28 =	simm.s32 $0x0;
	s26 =	sor.u32 $0x400, s26;
	[tilespmem:s25+$0x20] =	vst.add.f32.msk $0xffff, v3  }
.LBB2_3:
0x5e: {  	s28 =	sadd.s32 $0x8, s28;
	[tilespmem:s25+$0x10] =	vst.add.f32.msk $0xffff, v2;
	s25 =	sadd.s32 $0x200, s25  }
0x5f: {  	[tilespmem:s25+$0x0] =	vst.add.f32.msk $0xffff, v0;
	p1 =	slt.u32 s28, $0x1F8  }
0x60: {  	[tilespmem:s25+$0x1F0] =	vst.add.f32.msk $0xffff, v1  }
0x61: {  	[tilespmem:s25+$0x1E0] =	vst.add.f32.msk $0xffff, v3  }
0x62: {  	[tilespmem:s25+$0x1D0] =	vst.add.f32.msk $0xffff, v2  }
0x63: {  	[tilespmem:s25+$0x1C0] =	vst.add.f32.msk $0xffff, v0  }
0x64: {  	[tilespmem:s25+$0x1B0] =	vst.add.f32.msk $0xffff, v1  }
0x65: {  	[tilespmem:s25+$0x1A0] =	vst.add.f32.msk $0xffff, v3  }
0x66: {  	[tilespmem:s25+$0x190] =	vst.add.f32.msk $0xffff, v2  }
0x67: {  	[tilespmem:s25+$0x180] =	vst.add.f32.msk $0xffff, v0  }
0x68: {  	[tilespmem:s25+$0x170] =	vst.add.f32.msk $0xffff, v1  }
0x69: {  	[tilespmem:s25+$0x160] =	vst.add.f32.msk $0xffff, v3  }
0x6a: {  	[tilespmem:s25+$0x150] =	vst.add.f32.msk $0xffff, v2  }
0x6b: {  	[tilespmem:s25+$0x140] =	vst.add.f32.msk $0xffff, v0  }
0x6c: {  	[tilespmem:s25+$0x130] =	vst.add.f32.msk $0xffff, v1  }
0x6d: {  	[tilespmem:s25+$0x120] =	vst.add.f32.msk $0xffff, v3  }
0x6e: {  	[tilespmem:s25+$0x110] =	vst.add.f32.msk $0xffff, v2  }
0x6f: {  	[tilespmem:s25+$0x100] =	vst.add.f32.msk $0xffff, v0  }
0x70: {  	[tilespmem:s25+$0xF0] =	vst.add.f32.msk $0xffff, v1  }
0x71: {  	[tilespmem:s25+$0xE0] =	vst.add.f32.msk $0xffff, v3  }
0x72: {  	[tilespmem:s25+$0xD0] =	vst.add.f32.msk $0xffff, v2  }
0x73: {  	[tilespmem:s25+$0xC0] =	vst.add.f32.msk $0xffff, v0  }
0x74: {  	[tilespmem:s25+$0xB0] =	vst.add.f32.msk $0xffff, v1  }
0x75: {  	[tilespmem:s25+$0xA0] =	vst.add.f32.msk $0xffff, v3  }
0x76: {  	[tilespmem:s25+$0x90] =	vst.add.f32.msk $0xffff, v2  }
0x77: {  	[tilespmem:s25+$0x80] =	vst.add.f32.msk $0xffff, v0  }
0x78: {  	[tilespmem:s25+$0x70] =	vst.add.f32.msk $0xffff, v1  }
.Ltmp0:
0x79: {  	[tilespmem:s25+$0x60] =	vst.add.f32.msk $0xffff, v3;
	(pc) =	sbr.rel @p1 .LBB2_3-.Ltmp0, $4  }
0x7a: {  	[tilespmem:s25+$0x50] =	vst.add.f32.msk $0xffff, v2  }
0x7b: {  	[tilespmem:s25+$0x40] =	vst.add.f32.msk $0xffff, v0  }
0x7c: {  	[tilespmem:s25+$0x30] =	vst.add.f32.msk $0xffff, v1  }
0x7d: {  	[tilespmem:s25+$0x20] =	vst.add.f32.msk $0xffff, v3  }
0x7e: {  	p1 =	slt.u32 s23, $0x2  }
0x7f: {  	[tilespmem:s25+$0x10] =	vst.add.f32.msk $0xffff, v2;
	s23 =	simm.s32 @!p1 $0x2  }
0x80: {  	_ =	swait.ge @!p1 [sflag:s23], $0x8000  }
0x81: {  	[sflag:s23] =	ssyncset.done @!p1 $0x0  }
0x82: {  	[sflag:s23] =	ssyncadd.s32 @!p1 $0xFFFF8000;
	p1 =	sne.s32 s22, $0x32  }
.Ltmp1:
0x83: {  	_ = 	snop;
	(pc) =	sbr.rel @p1 .LBB2_2-.Ltmp1, $4  }
0x84: {  	_ = 	snop  }
0x85: {  	s24 =	sshll.u32 s24, $0xC  }
0x86: {  	p0 =	por !p0, !p0;
	s31 =	sadd.s32 s2, s24;
	s23 =	smov.u32 s22  }
0x87: {  	[hbm4b:s31+s3] =	stream.linear.scatter [tilespmem:s26], [sflag:$0x2], $0x8000, $0x38;
	[tilespmem:$0x13600] =	vst v63  }
0x88: {  	s21 =	sadd.s32 $0x1, s21  }
0x89: {  	_ =	swait.ge [sflag:s20], $0x8000;
	p0 =	sne.s32 s21, s9  }
.Ltmp2:
0x8a: {  	[sflag:s20] =	ssyncset.done $0x0;
	(pc) =	sbr.rel @p0 .LBB2_1-.Ltmp2, $4  }
0x8b: {  	[sflag:s20] =	ssyncadd.s32 $0xFFFF8000  }
0x8c: {  	_ =	swait.ge [sflag:s20], $0x8000  }
0x8d: {  	[sflag:s20] =	ssyncset.done $0x0  }
0x8e: {  	[sflag:s20] =	ssyncadd.s32 $0xFFFF8000  }
0x8f: {  	_ =	sfence.sel $0x180000  }
0x90: {  	[bflag:$0x0] =	sbarrier.arrive $0xFFFF  }
0x91: {  	p0 =	sne.s32 s1, $0x0;
	_ =	strace $0x90000047  }
0x92: {  	s0 =	sadd.s32 @!p0 $0x100000, s0;
	[bflag:$0x2] =	sbarrier.arrive $0xFFFF  }
0x93: {  	[sflag:s0] =	ssyncadd.tile.s32 @!p0 $0x1;
	_ =	shalt  }
.Lfunc_end2:
_tile_overlayer_lowered:
.L_overlay_start_2:
0x94: {  	(tag) =	ssettag $0x2  }
0x95: {  	s0 =	rddreg [dreg:$0x0];
	s2 =	stileid.u32  }
0x96: {  	s1 =	rddreg [dreg:$0x1];
	p0 =	sne.s32 s2, $0x0  }
0x97: {  	s3 =	rddreg [dreg:$0x2];
	[bflag:$0x3] =	sbarrier.arrive $0xFFFF;
	s2 =	simm.s32 @!p0 $0x1C03  }
0x98: {  	[timem:s3], [sflag:s2] =	dma.local @!p0 [hbm:s0], s1  }
0x99: {  	s0 =	simm.s32 @!p0 $0x3  }
0x9a: {  	_ =	swait.ge @!p0 [sflag:s0], s1  }
0x9b: {  	s1 =	ssub.s32 @!p0 $0x0, s1;
	[sflag:s0] =	ssyncset.done @!p0 $0x0  }
0x9c: {  	[sflag:s0] =	ssyncadd.s32 @!p0 s1  }
0x9d: {  	[bflag:$0x3] =	sbarrier.arrive $0xFFFF  }
0x9e: {  	_ =	shalt  }

// kernel: sparse-core-data-format-call.cloned.1.call-start
scs
called_computation_lowered:
.L_overlay_start_0:
0x0: {  	s2 =	sld [smem:$0x3FD9]  }
0x1: {  	s3 =	sld [smem:$0x3FFE];
	_ =	sdelay $0x1  }
0x2: {  	s1 =	srdreg.scid  }
0x3: {  	s0 =	sand.u32 $0x1, s1  }
0x4: {  	s18 =	sshll.u32 s0, $0xA;
	s2 =	sadd.s32 s3, s2  }
0x5: {  	s2 =	sadd.s32 s2, s18  }
0x6: {  	[smem:$0x3FC5] =	sst s2  }
0x7: {  	_ = 	snop  }
0x8: {  	s2 =	sld [smem:$0x3FD0];
	(tm) =	ssettm $0x1  }
0x9: {  	s19 =	sld [smem:$0x3FFB];
	_ =	sdelay $0x3  }
0xa: {  	_ =	strace s19  }
0xb: {  	s3 =	sld [smem:$0x3FFC];
	_ =	sdelay $0x3  }
0xc: {  	_ =	strace s3  }
0xd: {  	s3 =	sld [smem:$0x3FFD];
	_ =	sdelay $0x3  }
0xe: {  	_ =	strace s3  }
0xf: {  	_ =	strace $0x8FFFFFFF  }
0x10: {  	s20 =	sld [smem:$0x3FDB];
	_ =	sdelay $0x1  }
0x11: {  	s4 =	simm.s32 $_scs_section_size  }
0x12: {  	s5 =	simm.s32 $_size__tile_overlayer_lowered;
	s6 =	simm.s32 $_tile_overlayer_lowered  }
0x13: {  	s23 =	simm.s32 $0x1BFF;
	s22 =	sshll.u32 s6, $0x1;
	s3 =	sadd.s32 s4, s20  }
0x14: {  	s7 =	simm.s32 $0x0;
	s21 =	sshll.u32 s5, $0x1;
	s5 =	sadd.s32 s22, s3  }
0x15: {  	[timem:s7], [sflag:s23] =	dma.local [hbm:s5], s21  }
0x16: {  	_ =	swait.ge [sflag:s23], s21  }
0x17: {  	s4 =	ssub.s32 $0x0, s21;
	[sflag:s23] =	ssyncset.done $0x0  }
0x18: {  	[sflag:s23] =	ssyncadd.s32 s4;
	_ =	sdelay $0x1  }
0x19: {  	s24 =	simm.s32 $0x1B8B  }
0x1a: {  	_ =	swait.ge [sflag:s24], $0x1  }
0x1b: {  	[sflag:s24] =	ssyncset.done $0x0  }
0x1c: {  	s26 =	simm.s32 $0x1B8E;
	s25 =	sld [smem:$0x3FFE];
	[sflag:s24] =	ssyncadd.s32 $0xFFFFFFFF  }
0x1d: {  	s27 =	simm.s32 $execute0_lowered;
	[smem:$0x3FD2] =	sst s26  }
0x1e: {  	s5 =	sshll.u32 s27, $0x1;
	_ =	strace $0x80000049;
	[dreg:$0x1] =	wrdreg $0xFFFFFFFF  }
0x1f: {  	s28 =	simm.s32 $_size_execute0_lowered;
	s3 =	sadd.s32 s3, s5;
	[dreg:$0x0] =	wrdreg $0x0  }
0x20: {  	s5 =	sshll.u32 s28, $0x1;
	[dreg:$0x2] =	wrdreg s3  }
0x21: {  	[dreg:$0x3] =	wrdreg s5  }
0x22: {  	[dreg:$0x4] =	wrdreg $0xC0  }
0x23: {  	_ =	task [dreg:s7], $0x5FFFF  }
0x24: {  	[dreg:$0x1] =	wrdreg $0xFFFFFFFF  }
0x25: {  	[dreg:$0x0] =	wrdreg $0x60  }
0x26: {  	[dreg:$0x2] =	wrdreg s25  }
0x27: {  	[dreg:$0x3] =	wrdreg s2  }
0x28: {  	[dreg:$0x4] =	wrdreg $0x9  }
0x29: {  	_ =	task.clear_ibuf [dreg:s7], $0x5FFFF;
	_ =	strace $0x90000049  }
0x2a: {  	s29 =	simm.s32 $0x9;
	_ =	strace $0x8000004B  }
0x2b: {  	_ =	swait.ge [sflag:s29], $0x1  }
0x2c: {  	[sflag:s29] =	ssyncadd.s32 $0xFFFFFFFF  }
0x2d: {  	_ =	strace $0x9000004B  }
0x2e: {  	_ =	sfence  }
0x2f: {  	s30 =	sld [smem:$0x0];
	_ =	sdelay $0x2  }
0x30: {  	s31 =	sshll.u32 s1, $0xD;
	s1 =	sshrl.u32 s1, $0x2  }
0x31: {  	s3 =	sand.u32 $0x4000, s31;
	s1 =	sadd.s32 s1, s30  }
0x32: {  	s0 =	sor.u32 s3, s0;
	s1 =	sshll.u32 s1, $0x11  }
0x33: {  	s0 =	sor.u32 s1, s0  }
0x34: {  	s0 =	sadd.s32 $0x8F2B, s0  }
0x35: {  	[sflag:s0] =	ssyncadd.remote.s32 $0x1  }
0x36: {  	_ =	sfence.sel $0xFFFF  }
0x37: {  	[dreg:$0x0] =	wrdreg $0xFFFFFFFF;
	(pc) =	sbr.abs _section_cstart, $3  }
0x38: {  	[dreg:$0x1] =	wrdreg $0xFFFFFFFF  }
0x39: {  	_ =	task.clear_ibuf [dreg:s7], $0x2FFFF;
	_ =	strace $0x9FFFFFFF  }
0x3a: {  	(tm) =	ssettm $0x7FFFFFFF  }
0x3b: {  	_ =	shalt  }
tec
execute0_lowered:
.L_overlay_start_1:
0x0: {  	(tag) =	ssettag $0x1  }
0x1: {  	s0 =	srdreg.scid  }
0x2: {  	s1 =	sshll.u32 s0, $0x4  }
0x3: {  	s5 =	rddreg [dreg:$0x0];
	s0 =	stileid.u32;
	s1 =	sand.u32 $0x10, s1  }
0x4: {  	s3 =	rddreg [dreg:$0x1];
	s31 =	simm.s32 $0x2;
	s4 =	sor.u32 s0, s1  }
0x5: {  	s13 =	simm.s32 $0x0;
	s9 =	simm.s32 $0x400;
	s2 =	sshll.u32 s4, $0x7  }
0x6: {  	s10 =	simm.s32 $0x8000;
	s14 =	simm.s32 $0x0;
	s6 =	ssub.s32 $0x1000, s2  }
0x7: {  	s1 =	rddreg [dreg:$0x2];
	_ =	strace $0x8000004A;
	s7 =	sand.u32 $0xF80, s6  }
0x8: {  	s4 =	sshll.u32 s4, $0xB;
	p0 =	sne.s32 s7, $0x0;
	s7 =	simm.s32 $0x1  }
.Ltmp0:
0x9: {  	s6 =	sshrl.u32 s6, $0xC;
	s7 =	simm.s32 @!p0 $0x0;
	(pc) =	sbr.rel .LBB1_1-.Ltmp0, $4  }
0xa: {  	s8 =	sadd.s32 s4, s5;
	s4 =	simm.s32 $0x1;
	s30 =	sadd.s32 s7, s6  }
0xb: {  	s11 =	simm.s32 $0x0;
	[sflag:s4] =	ssyncpa.u1 $0x0;
	s5 =	smul.u32 $0x64, s30  }
0xc: {  	s12 =	simm.s32 $0x0;
	[sflag:s31] =	ssyncpa.u1 $0x0;
	p0 =	por $0x0, $0x0  }
0xd: {  	s6 =	sadd.s32 $0xC00, s8;
	s7 =	sadd.s32 $0x10C00, s8;
	s8 =	sor.u32 $0x1, s5  }
.LBB1_7:
0xe: {  	s15 =	sadd.s32 $0x2, s11  }
0xf: {  	p2 =	sgt.s32 s15, $0xC7  }
0x10: {  	s15 =	simm.s32 @p2 $0x0;
	p2 =	sne.s32 s12, s8  }
.Ltmp1:
0x11: {  	p1 =	slt.u32 s12, $0x2;
	(pc) =	sbr.rel @!p2 .LBB1_8-.Ltmp1, $4  }
0x12: {  	s13 =	simm.s32 @!p1 $0x2  }
0x13: {  	s16 =	sadd.s32 $0x1, s12;
	s14 =	smov.u32 s11;
	_ =	swait.ge @!p1 [sflag:s13], $0x4000  }
0x14: {  	p0 =	por !p0, !p0;
	s12 =	smov.u32 s16;
	[sflag:s13] =	ssyncset.done @!p1 $0x0  }
0x15: {  	s11 =	smov.u32 s15;
	[sflag:s13] =	ssyncadd.s32 @!p1 $0xFFFFC000;
	s13 =	smov.u32 s2  }
.LBB1_1:
0x16: {  	p1 =	sge.u32 s12, s5  }
0x17: {  	s15 =	sxor.u32 @!p1 $0xFFFFFFFF, s12  }
0x18: {  	s16 =	sshll.u32 @!p1 s11, $0x10;
	s18 =	simm.s32 @!p1 $0x40;
	s15 =	sshll.u32 @!p1 s15, $0xE  }
0x19: {  	s19 =	simm.s32 @!p1 $0x80;
	s17 =	sadd.s32 @!p1 s16, s6;
	s15 =	sand.u32 @!p1 $0x4000, s15  }
0x1a: {  	[tilespmem:s15], [sflag:$0x1] =	stream.strided.gather @!p1 [hbm4b:s17+s18], $0x2000, s19, s18, $0x38;
	[tilespmem:$0x10100] =	vst v63  }
0x1b: {  	s31 =	sadd.s32 $0xFFFFFFFF, s12;
	s16 =	sadd.s32 @!p1 s16, s7;
	s15 =	sor.u32 @!p1 $0x2000, s15  }
0x1c: {  	[tilespmem:s15], [sflag:$0x1] =	stream.strided.gather @!p1 [hbm4b:s16+s18], $0x2000, s19, s18, $0x38;
	[tilespmem:$0x10100] =	vst v63  }
0x1d: {  	p1 =	sge.u32 s31, s5  }
.Ltmp2:
0x1e: {  	_ = 	snop;
	(pc) =	sbr.rel @p1 .LBB1_7-.Ltmp2, $1  }
0x1f: {  	_ =	sdelay $0x3  }
0x20: {  	s15 =	simm.s32 $0x1;
	s17 =	sand.u32 $0x1, s12  }
0x21: {  	_ =	swait.ge [sflag:s4], $0x4000;
	s15 =	simm.s32 @!p0 $0x0;
	s17 =	smul.u32 $0x10200, s17  }
0x22: {  	p2 =	por $0x1, $0x1;
	[sflag:s4] =	ssyncset.done $0x0;
	s16 =	smul.u32 $0x10200, s15  }
0x23: {  	s18 =	sshll.u32 s15, $0x10;
	[sflag:s4] =	ssyncadd.s32 $0xFFFFC000;
	s30 =	sshrl.u32 s17, $0x2  }
0x24: {  	s31 =	sshrl.u32 s18, $0x2;
	s18 =	simm.s32 $0x0;
	s16 =	sshrl.u32 s16, $0x2  }
0x25: {  	s15 =	sor.u32 $0x8000, s30;
	s17 =	sadd.s32 $0x20, s31;
	s16 =	sor.u32 $0x8000, s16  }
.LBB1_3:
0x26: {  	s19 =	sshll.u32 s18, $0xD  }
0x27: {  	s19 =	sand.u32 $0x3FFFE000, s19  }
0x28: {  	s21 =	sadd.s32 s19, s17  }
0x29: {  	s31 =	smul.u32 $0x8100, s18;
	v3 =	vld [tilespmem:s21+$0x10]  }
0x2a: {  	v1 =	vld [tilespmem:s21+$0xFFFFFFF0]  }
0x2b: {  	s18 =	sshra.s32 s31, $0x2;
	v0 =	vld [tilespmem:s21+$0x0]  }
0x2c: {  	s18 =	sadd.s32 s18, s16;
	v2 =	vld [tilespmem:s21+$0xFFFFFFE0]  }
0x2d: {  	s19 =	sadd.s32 $0x0, s18  }
0x2e: {  	p1 =	por p2, p2;
	s20 =	simm.s32 $0x4;
	s21 =	sadd.s32 $0x40, s21;
	[tilespmem:s19+$0x1830 ss:$0x81] =	vst.msk $0xffff, v3  }
.LBB1_4:
0x2f: {  	v3 =	vld [tilespmem:s21+$0x10];
	p2 =	sne.s32 s20, $0x1FC;
	[tilespmem:s19+$0x810 ss:$0x81] =	vst.msk $0xffff, v1;
	s22 =	smov.u32 s20;
	s20 =	sadd.s32 $0x4, s20  }
.Ltmp3:
0x30: {  	v1 =	vld [tilespmem:s21+$0xFFFFFFF0];
	[tilespmem:s19+$0x1020 ss:$0x81] =	vst.msk $0xffff, v0;
	(pc) =	sbr.rel @p2 .LBB1_4-.Ltmp3, $4  }
0x31: {  	v0 =	vld [tilespmem:s21+$0x0];
	[tilespmem:s19+$0x0 ss:$0x81] =	vst.msk $0xffff, v2  }
0x32: {  	s19 =	sshra.s32 s22, $0x2;
	v2 =	vld [tilespmem:s21+$0xFFFFFFE0]  }
0x33: {  	s19 =	sadd.s32 s19, s18  }
0x34: {  	s21 =	sadd.s32 $0x40, s21;
	[tilespmem:s19+$0x1830 ss:$0x81] =	vst.msk $0xffff, v3  }
.Ltmp4:
0x35: {  	(pc) =	sbr.rel @p1 .LBB1_3-.Ltmp4, $4  }
0x36: {  	_ = 	snop  }
0x37: {  	[tilespmem:s19+$0x810 ss:$0x81] =	vst.msk $0xffff, v1  }
0x38: {  	[tilespmem:s19+$0x1020 ss:$0x81] =	vst.msk $0xffff, v0  }
0x39: {  	s18 =	simm.s32 $0x1;
	p2 =	por $0x0, $0x0;
	[tilespmem:s19+$0x0 ss:$0x81] =	vst.msk $0xffff, v2  }
.Ltmp5:
0x3a: {  	(pc) =	sbr.rel .LBB1_7-.Ltmp5, $4  }
0x3b: {  	s14 =	sshll.u32 s14, $0xF  }
0x3c: {  	s14 =	sadd.s32 s3, s14  }
0x3d: {  	s13 =	sadd.s32 s13, s14  }
0x3e: {  	[hbm4b:s13+s9] =	stream.strided.scatter [tilespmem:s15], [sflag:$0x2], $0x4000, s10, s9, $0x20;
	[tilespmem:$0x10100] =	vst v63  }
.LBB1_8:
0x3f: {  	_ =	sfence.sel $0x180000  }
0x40: {  	s2 =	simm.s32 $0x1;
	[bflag:$0x0] =	sbarrier.arrive $0xFFFF  }
0x41: {  	s31 =	simm.s32 $0x2;
	[sflag:s2] =	ssyncpa.u1 $0x1  }
0x42: {  	[sflag:s31] =	ssyncpa.u1 $0x1  }
0x43: {  	p0 =	sne.s32 s0, $0x0;
	_ =	strace $0x9000004A  }
0x44: {  	s0 =	sadd.s32 @!p0 $0x100000, s1;
	[bflag:$0x2] =	sbarrier.arrive $0xFFFF  }
0x45: {  	[sflag:s0] =	ssyncadd.tile.s32 @!p0 $0x1;
	_ =	shalt  }
.Lfunc_end1:
_tile_overlayer_lowered:
.L_overlay_start_2:
0x46: {  	(tag) =	ssettag $0x2  }
0x47: {  	s0 =	rddreg [dreg:$0x0];
	s2 =	stileid.u32  }
0x48: {  	s1 =	rddreg [dreg:$0x1];
	p0 =	sne.s32 s2, $0x0  }
0x49: {  	s3 =	rddreg [dreg:$0x2];
	[bflag:$0x3] =	sbarrier.arrive $0xFFFF;
	s2 =	simm.s32 @!p0 $0x1C01  }
0x4a: {  	[timem:s3], [sflag:s2] =	dma.local @!p0 [hbm:s0], s1  }
0x4b: {  	s0 =	simm.s32 @!p0 $0x1  }
0x4c: {  	_ =	swait.ge @!p0 [sflag:s0], s1  }
0x4d: {  	s1 =	ssub.s32 @!p0 $0x0, s1;
	[sflag:s0] =	ssyncset.done @!p0 $0x0  }
0x4e: {  	[sflag:s0] =	ssyncadd.s32 @!p0 s1  }
0x4f: {  	[bflag:$0x3] =	sbarrier.arrive $0xFFFF  }
0x50: {  	_ =	shalt  }

</sc_bundles>
